<compile_context>
chip_gen: v7x
topology: tpu7x:2x2x1
jax: 0.10.2.dev20260603
libtpu: 0.0.44.dev20260713+nightly
codegen_flags: <defaults>
</compile_context>

<pallas_src>
import functools

import jax
import jax.numpy as jnp
from jax import lax
from jax.experimental import pallas as pl
from jax.experimental.pallas import tpu as pltpu
from jax.experimental.pallas import tpu_sc as plsc

VOCAB = 100000
EMB_DIM = 300
PAD_DIM = 384
BAND = 256
B, L = 4096, 200
N = B * L

NC, NS = 2, 16
NW = NC * NS
PER_W = N // NW
C = 64
N_CHUNKS = PER_W // C
NB = 2


def _make_sc_gather():
    mesh = plsc.VectorSubcoreMesh(core_axis_name="c", subcore_axis_name="s")

    @functools.partial(
        pl.kernel,
        mesh=mesh,
        compiler_params=pltpu.CompilerParams(needs_layout_passes=False),
        out_type=jax.ShapeDtypeStruct((N, EMB_DIM), jnp.float32),
        scratch_types=[
            pltpu.VMEM((N_CHUNKS, C), jnp.int32),
            pltpu.VMEM((C, EMB_DIM), jnp.float32),
            pltpu.VMEM((C, EMB_DIM), jnp.float32),
            pltpu.VMEM((C, 128), jnp.float32),
            pltpu.VMEM((C, 128), jnp.float32),
            pltpu.SemaphoreType.DMA,
            pltpu.SemaphoreType.DMA,
            pltpu.SemaphoreType.DMA,
            pltpu.SemaphoreType.DMA,
            pltpu.SemaphoreType.DMA,
            pltpu.SemaphoreType.DMA,
        ],
    )
    def sc_gather(idx_hbm, table_hbm, out_hbm, idx_v,
                  rows0, rows1, tail0, tail1,
                  gb0, gb1, gt0, gt1, st0, st1):
        wid = lax.axis_index("s") * NC + lax.axis_index("c")
        base = wid * PER_W
        pltpu.sync_copy(idx_hbm.at[wid], idx_v)

        band_src = table_hbm.at[:, pl.ds(0, BAND)]
        tail_src = table_hbm.at[:, pl.ds(BAND, 128)]

        rows = (rows0, rows1)
        tails = (tail0, tail1)
        gbs = (gb0, gb1)
        gts = (gt0, gt1)
        sts = (st0, st1)

        lanes = lax.iota(jnp.int32, 16)
        tail_cols = BAND + 32 + lanes
        tail_mask = lanes < (EMB_DIM - BAND - 32)

        def fire(j, b):
            idx_j = idx_v.at[j]
            pltpu.async_copy(band_src.at[idx_j],
                             rows[b].at[:, pl.ds(0, BAND)], gbs[b])
            pltpu.async_copy(tail_src.at[idx_j], tails[b], gts[b])

        def wait_tail(j, b):
            pltpu.make_async_copy(tail_src.at[idx_v.at[j]],
                                  tails[b], gts[b]).wait()

        def wait_band(j, b):
            pltpu.make_async_copy(band_src.at[idx_v.at[j]],
                                  rows[b].at[:, pl.ds(0, BAND)], gbs[b]).wait()

        def assemble(b):
            def rbody(r, c2):
                rows[b][r, pl.ds(BAND, 16)] = tails[b][r, pl.ds(0, 16)]
                rows[b][r, pl.ds(BAND + 16, 16)] = tails[b][r, pl.ds(16, 16)]
                v2 = tails[b][r, pl.ds(32, 16)]
                rids = jnp.full((16,), r, jnp.int32)
                plsc.store_scatter(rows[b], [rids, tail_cols], v2,
                                   mask=tail_mask)
                return c2
            lax.fori_loop(0, C, rbody, 0)

        def out_dst(j):
            return out_hbm.at[pl.ds(base + j * C, C)]

        for b in range(NB):
            fire(b, b)

        def body(jo2, carry):
            jo = jo2 * NB
            for b in range(NB):
                j = jo + b
                wait_tail(j, b)
                assemble(b)
                wait_band(j, b)
                pltpu.async_copy(rows[b], out_dst(j), sts[b])
            for b in range(NB):
                j = jo + b + NB

                @pl.when(j < N_CHUNKS)
                def _():
                    pltpu.make_async_copy(rows[b], out_dst(j - NB),
                                          sts[b]).wait()
                    fire(j, b)
            return carry

        lax.fori_loop(0, N_CHUNKS // NB, body, 0)

        for b in range(NB):
            j = N_CHUNKS - NB + b
            pltpu.make_async_copy(rows[b], out_dst(j), sts[b]).wait()

    return sc_gather


_sc_gather = _make_sc_gather()


def kernel(indices, emb_weight):
    idx = indices.reshape(NW, N_CHUNKS, C).astype(jnp.int32)
    one = lax.optimization_barrier(jnp.ones((), jnp.float32))
    table = jnp.pad(emb_weight * one, ((0, 0), (0, PAD_DIM - EMB_DIM)))
    out = _sc_gather(idx, table)
    return out.reshape(B, L, EMB_DIM) * one

# --- scband reference (transcript-rebuilt; emitter-appended) ---
"""Pipeline reference for scband-lstm-58110907515610 (READ-ONLY COPY).

The authoritative reference and input builder live on the scoring server;
editing this copy changes nothing except your own understanding.
"""

import jax, jax.numpy as jnp
import numpy as np

VOCAB = 100000
EMB_DIM = 300

def setup_inputs(seed: int = 0) -> dict:
    key = jax.random.key(seed)
    k1, k2 = jax.random.split(key)
    indices = jax.random.randint(k1, (4096, 200), 0, VOCAB, dtype=jnp.int64)
    # emb table initialized like torch.randn(len(vocab), 300) * 0.25
    emb_weight = jax.random.normal(k2, (VOCAB, EMB_DIM), dtype=jnp.float32) * 0.25
    return {"indices": indices, "emb_weight": emb_weight}

def reference(indices, emb_weight):
    # Faithful translation of nn.Embedding lookup (the only meaningful compute;
    # the original forward is broken / pass-through, so the canonical op is the
    # embedding gather that the module constructs).
    out = jnp.take(emb_weight, indices, axis=0)  # [B, L, 300]
    return out

if __name__ == "__main__":
    import jax
    _d = setup_inputs()
    print(jax.jit(kernel)(*tuple(_d.values())))

</pallas_src>

<mosaic_0001>
#map = affine_map<(d0, d1) -> (0, 0, 0)>
#map1 = affine_map<(d0, d1) -> (0, 0)>
module attributes {stable_mosaic.version = 14 : i64} {
  func.func @sc_gather(%arg0: i32, %arg1: i32, %arg2: memref<32x400x64xi32, #tpu.memory_space<hbm>>, %arg3: memref<100000x384xf32, #tpu.memory_space<hbm>>, %arg4: memref<819200x300xf32, #tpu.memory_space<hbm>>, %arg5: memref<400x64xi32, #tpu.memory_space<vmem>>, %arg6: memref<64x300xf32, #tpu.memory_space<vmem>>, %arg7: memref<64x300xf32, #tpu.memory_space<vmem>>, %arg8: memref<64x128xf32, #tpu.memory_space<vmem>>, %arg9: memref<64x128xf32, #tpu.memory_space<vmem>>, %arg10: memref<!tpu.dma_semaphore, #tpu.memory_space<semaphore_mem>>, %arg11: memref<!tpu.dma_semaphore, #tpu.memory_space<semaphore_mem>>, %arg12: memref<!tpu.dma_semaphore, #tpu.memory_space<semaphore_mem>>, %arg13: memref<!tpu.dma_semaphore, #tpu.memory_space<semaphore_mem>>, %arg14: memref<!tpu.dma_semaphore, #tpu.memory_space<semaphore_mem>>, %arg15: memref<!tpu.dma_semaphore, #tpu.memory_space<semaphore_mem>>) attributes {dimension_semantics = [#tpu.dimension_semantics<core_parallel>, #tpu.dimension_semantics<subcore_parallel>], iteration_bounds = array<i64: 2, 16>, scalar_prefetch = 0 : i64, scratch_operands = 11 : i64, tpu.core_type = #tpu.core_type<sc_vector_subcore>, window_params = [{transform_indices = #map}, {transform_indices = #map1}, {transform_indices = #map1}]} {
    %mul3A = arith.constant 2 : i32
    %mul3A_0 = arith.muli %arg1, %mul3A : i32
    %add3A = arith.addi %mul3A_0, %arg0 : i32
    %mul3A_1 = arith.constant 25600 : i32
    %mul3A_2 = arith.muli %add3A, %mul3A_1 : i32
    "tpu.region"() ({
      %run_scoped3A = tpu.sem_alloc : memref<!tpu.dma_semaphore, #tpu.memory_space<semaphore_mem>>
      %dma_start3A_69 = arith.constant 0 : i32
      %dma_start3A_70 = arith.constant 0 : i32
      %dma_start3A_71 = tpu.memref_slice %arg2[%add3A, %dma_start3A_69, %dma_start3A_70] : memref<32x400x64xi32, #tpu.memory_space<hbm>> -> memref<1x400x64xi32, #tpu.memory_space<hbm>>
      %dma_start3A_72 = tpu.memref_squeeze %dma_start3A_71 : memref<1x400x64xi32, #tpu.memory_space<hbm>> -> memref<400x64xi32, #tpu.memory_space<hbm>>
      %dma_start3A_73 = arith.constant 0 : i32
      %dma_start3A_74 = arith.constant 0 : i32
      %dma_start3A_75 = tpu.memref_slice %arg2[%add3A, %dma_start3A_73, %dma_start3A_74] : memref<32x400x64xi32, #tpu.memory_space<hbm>> -> memref<1x400x64xi32, #tpu.memory_space<hbm>>
      %dma_start3A_76 = tpu.memref_squeeze %dma_start3A_75 : memref<1x400x64xi32, #tpu.memory_space<hbm>> -> memref<400x64xi32, #tpu.memory_space<hbm>>
      tpu.enqueue_dma source(%dma_start3A_76 : memref<400x64xi32, #tpu.memory_space<hbm>>) target(%arg5 : memref<400x64xi32, #tpu.memory_space<vmem>>) target_semaphore(%run_scoped3A : memref<!tpu.dma_semaphore, #tpu.memory_space<semaphore_mem>>)
      %dma_wait3A_77 = arith.constant 0 : i32
      %dma_wait3A_78 = arith.constant 0 : i32
      %dma_wait3A_79 = tpu.memref_slice %arg2[%add3A, %dma_wait3A_77, %dma_wait3A_78] : memref<32x400x64xi32, #tpu.memory_space<hbm>> -> memref<1x400x64xi32, #tpu.memory_space<hbm>>
      %dma_wait3A_80 = tpu.memref_squeeze %dma_wait3A_79 : memref<1x400x64xi32, #tpu.memory_space<hbm>> -> memref<400x64xi32, #tpu.memory_space<hbm>>
      %dma_wait3A_81 = arith.constant 0 : i32
      %dma_wait3A_82 = arith.constant 0 : i32
      %dma_wait3A_83 = tpu.memref_slice %arg2[%add3A, %dma_wait3A_81, %dma_wait3A_82] : memref<32x400x64xi32, #tpu.memory_space<hbm>> -> memref<1x400x64xi32, #tpu.memory_space<hbm>>
      %dma_wait3A_84 = tpu.memref_squeeze %dma_wait3A_83 : memref<1x400x64xi32, #tpu.memory_space<hbm>> -> memref<400x64xi32, #tpu.memory_space<hbm>>
      tpu.wait_dma2 semaphore(%run_scoped3A : memref<!tpu.dma_semaphore, #tpu.memory_space<semaphore_mem>>) src(%dma_wait3A_84 : memref<400x64xi32, #tpu.memory_space<hbm>>) dst(%arg5 : memref<400x64xi32, #tpu.memory_space<vmem>>)
      tpu.yield
    }) : () -> ()
    %iota3A = tpu.iota {dimensions = array<i32: 0>} : vector<16xi32>
    %add3A_3 = arith.constant 288 : i32
    %add3A_4 = vector.broadcast %add3A_3 : i32 to vector<16xi32>
    %add3A_5 = arith.addi %add3A_4, %iota3A : vector<16xi32>
    %lt3A = arith.constant 12 : i32
    %lt3A_6 = vector.broadcast %lt3A : i32 to vector<16xi32>
    %lt3A_7 = arith.cmpi slt, %iota3A, %lt3A_6 : vector<16xi32>
    %dma_start3A = arith.constant 0 : i32
    %dma_start3A_8 = arith.constant 0 : i32
    %dma_start3A_9 = arith.constant 0 : i32
    %dma_start3A_10 = tpu.memref_slice %arg6[%dma_start3A_8, %dma_start3A_9] : memref<64x300xf32, #tpu.memory_space<vmem>> -> memref<64x256xf32, #tpu.memory_space<vmem>>
    %dma_start3A_11 = arith.constant 0 : i32
    %dma_start3A_12 = tpu.memref_slice %arg5[%dma_start3A, %dma_start3A_11] : memref<400x64xi32, #tpu.memory_space<vmem>> -> memref<1x64xi32, #tpu.memory_space<vmem>>
    %dma_start3A_13 = tpu.memref_squeeze %dma_start3A_12 : memref<1x64xi32, #tpu.memory_space<vmem>> -> memref<64xi32, #tpu.memory_space<vmem>>
    %dma_start3A_14 = arith.constant 0 : i32
    %dma_start3A_15 = arith.constant 0 : i32
    %dma_start3A_16 = tpu.memref_slice %arg3[%dma_start3A_14, %dma_start3A_15] : memref<100000x384xf32, #tpu.memory_space<hbm>> -> memref<100000x256xf32, #tpu.memory_space<hbm>>
    %dma_start3A_17 = arith.constant 0 : i32
    %dma_start3A_18 = arith.constant 0 : i32
    %dma_start3A_19 = tpu.memref_slice %dma_start3A_16[%dma_start3A_17, %dma_start3A_18] : memref<100000x256xf32, #tpu.memory_space<hbm>> -> memref<100000x256xf32, #tpu.memory_space<hbm>>
    tpu.enqueue_indirect_dma source(%dma_start3A_19 : memref<100000x256xf32, #tpu.memory_space<hbm>>) target(%dma_start3A_10 : memref<64x256xf32, #tpu.memory_space<vmem>>) offsets(%dma_start3A_13 : memref<64xi32, #tpu.memory_space<vmem>>) semaphore(%arg10 : memref<!tpu.dma_semaphore, #tpu.memory_space<semaphore_mem>>)
    %dma_start3A_20 = arith.constant 0 : i32
    %dma_start3A_21 = arith.constant 0 : i32
    %dma_start3A_22 = tpu.memref_slice %arg5[%dma_start3A_20, %dma_start3A_21] : memref<400x64xi32, #tpu.memory_space<vmem>> -> memref<1x64xi32, #tpu.memory_space<vmem>>
    %dma_start3A_23 = tpu.memref_squeeze %dma_start3A_22 : memref<1x64xi32, #tpu.memory_space<vmem>> -> memref<64xi32, #tpu.memory_space<vmem>>
    %dma_start3A_24 = arith.constant 0 : i32
    %dma_start3A_25 = arith.constant 256 : i32
    %dma_start3A_26 = tpu.memref_slice %arg3[%dma_start3A_24, %dma_start3A_25] : memref<100000x384xf32, #tpu.memory_space<hbm>> -> memref<100000x128xf32, #tpu.memory_space<hbm>>
    %dma_start3A_27 = arith.constant 0 : i32
    %dma_start3A_28 = arith.constant 0 : i32
    %dma_start3A_29 = tpu.memref_slice %dma_start3A_26[%dma_start3A_27, %dma_start3A_28] : memref<100000x128xf32, #tpu.memory_space<hbm>> -> memref<100000x128xf32, #tpu.memory_space<hbm>>
    tpu.enqueue_indirect_dma source(%dma_start3A_29 : memref<100000x128xf32, #tpu.memory_space<hbm>>) target(%arg8 : memref<64x128xf32, #tpu.memory_space<vmem>>) offsets(%dma_start3A_23 : memref<64xi32, #tpu.memory_space<vmem>>) semaphore(%arg12 : memref<!tpu.dma_semaphore, #tpu.memory_space<semaphore_mem>>)
    %dma_start3A_30 = arith.constant 1 : i32
    %dma_start3A_31 = arith.constant 0 : i32
    %dma_start3A_32 = arith.constant 0 : i32
    %dma_start3A_33 = tpu.memref_slice %arg7[%dma_start3A_31, %dma_start3A_32] : memref<64x300xf32, #tpu.memory_space<vmem>> -> memref<64x256xf32, #tpu.memory_space<vmem>>
    %dma_start3A_34 = arith.constant 0 : i32
    %dma_start3A_35 = tpu.memref_slice %arg5[%dma_start3A_30, %dma_start3A_34] : memref<400x64xi32, #tpu.memory_space<vmem>> -> memref<1x64xi32, #tpu.memory_space<vmem>>
    %dma_start3A_36 = tpu.memref_squeeze %dma_start3A_35 : memref<1x64xi32, #tpu.memory_space<vmem>> -> memref<64xi32, #tpu.memory_space<vmem>>
    %dma_start3A_37 = arith.constant 0 : i32
    %dma_start3A_38 = arith.constant 0 : i32
    %dma_start3A_39 = tpu.memref_slice %arg3[%dma_start3A_37, %dma_start3A_38] : memref<100000x384xf32, #tpu.memory_space<hbm>> -> memref<100000x256xf32, #tpu.memory_space<hbm>>
    %dma_start3A_40 = arith.constant 0 : i32
    %dma_start3A_41 = arith.constant 0 : i32
    %dma_start3A_42 = tpu.memref_slice %dma_start3A_39[%dma_start3A_40, %dma_start3A_41] : memref<100000x256xf32, #tpu.memory_space<hbm>> -> memref<100000x256xf32, #tpu.memory_space<hbm>>
    tpu.enqueue_indirect_dma source(%dma_start3A_42 : memref<100000x256xf32, #tpu.memory_space<hbm>>) target(%dma_start3A_33 : memref<64x256xf32, #tpu.memory_space<vmem>>) offsets(%dma_start3A_36 : memref<64xi32, #tpu.memory_space<vmem>>) semaphore(%arg11 : memref<!tpu.dma_semaphore, #tpu.memory_space<semaphore_mem>>)
    %dma_start3A_43 = arith.constant 1 : i32
    %dma_start3A_44 = arith.constant 0 : i32
    %dma_start3A_45 = tpu.memref_slice %arg5[%dma_start3A_43, %dma_start3A_44] : memref<400x64xi32, #tpu.memory_space<vmem>> -> memref<1x64xi32, #tpu.memory_space<vmem>>
    %dma_start3A_46 = tpu.memref_squeeze %dma_start3A_45 : memref<1x64xi32, #tpu.memory_space<vmem>> -> memref<64xi32, #tpu.memory_space<vmem>>
    %dma_start3A_47 = arith.constant 0 : i32
    %dma_start3A_48 = arith.constant 256 : i32
    %dma_start3A_49 = tpu.memref_slice %arg3[%dma_start3A_47, %dma_start3A_48] : memref<100000x384xf32, #tpu.memory_space<hbm>> -> memref<100000x128xf32, #tpu.memory_space<hbm>>
    %dma_start3A_50 = arith.constant 0 : i32
    %dma_start3A_51 = arith.constant 0 : i32
    %dma_start3A_52 = tpu.memref_slice %dma_start3A_49[%dma_start3A_50, %dma_start3A_51] : memref<100000x128xf32, #tpu.memory_space<hbm>> -> memref<100000x128xf32, #tpu.memory_space<hbm>>
    tpu.enqueue_indirect_dma source(%dma_start3A_52 : memref<100000x128xf32, #tpu.memory_space<hbm>>) target(%arg9 : memref<64x128xf32, #tpu.memory_space<vmem>>) offsets(%dma_start3A_46 : memref<64xi32, #tpu.memory_space<vmem>>) semaphore(%arg13 : memref<!tpu.dma_semaphore, #tpu.memory_space<semaphore_mem>>)
    %scan3A = arith.constant 0 : i32
    %scan3A_53 = arith.constant 0 : i32
    %scan3A_54 = arith.constant 200 : i32
    %scan3A_55 = arith.addi %scan3A_53, %scan3A_54 : i32
    %scan3A_56 = arith.constant 1 : i32
    scf.for %scan3A_69 = %scan3A_53 to %scan3A_55 step %scan3A_56  : i32 {
      %mul3A_70 = arith.constant 2 : i32
      %mul3A_71 = arith.muli %scan3A_69, %mul3A_70 : i32
      %add3A_72 = arith.constant 0 : i32
      %add3A_73 = arith.addi %mul3A_71, %add3A_72 : i32
      %dma_wait3A_74 = arith.constant 0 : i32
      %dma_wait3A_75 = tpu.memref_slice %arg5[%add3A_73, %dma_wait3A_74] : memref<400x64xi32, #tpu.memory_space<vmem>> -> memref<1x64xi32, #tpu.memory_space<vmem>>
      %dma_wait3A_76 = tpu.memref_squeeze %dma_wait3A_75 : memref<1x64xi32, #tpu.memory_space<vmem>> -> memref<64xi32, #tpu.memory_space<vmem>>
      %dma_wait3A_77 = arith.constant 0 : i32
      %dma_wait3A_78 = arith.constant 256 : i32
      %dma_wait3A_79 = tpu.memref_slice %arg3[%dma_wait3A_77, %dma_wait3A_78] : memref<100000x384xf32, #tpu.memory_space<hbm>> -> memref<100000x128xf32, #tpu.memory_space<hbm>>
      %dma_wait3A_80 = arith.constant 0 : i32
      %dma_wait3A_81 = arith.constant 0 : i32
      %dma_wait3A_82 = tpu.memref_slice %dma_wait3A_79[%dma_wait3A_80, %dma_wait3A_81] : memref<100000x128xf32, #tpu.memory_space<hbm>> -> memref<100000x128xf32, #tpu.memory_space<hbm>>
      tpu.wait_indirect_dma semaphore(%arg12 : memref<!tpu.dma_semaphore, #tpu.memory_space<semaphore_mem>>) src(%dma_wait3A_82 : memref<100000x128xf32, #tpu.memory_space<hbm>>) dst(%arg8 : memref<64x128xf32, #tpu.memory_space<vmem>>)
      %scan3A_83 = arith.constant 0 : i32
      %scan3A_84 = arith.constant 0 : i32
      %scan3A_85 = arith.constant 64 : i32
      %scan3A_86 = arith.addi %scan3A_84, %scan3A_85 : i32
      %scan3A_87 = arith.constant 1 : i32
      scf.for %scan3A_160 = %scan3A_84 to %scan3A_86 step %scan3A_87  : i32 {
        %get3A = arith.index_cast %scan3A_160 : i32 to index
        %get3A_161 = arith.constant 0 : index
        %get3A_162 = tpu.vector_load %arg8[%get3A, %get3A_161] {strides = array<i32>} : memref<64x128xf32, #tpu.memory_space<vmem>>, vector<16xf32>,
        %swap3A = arith.index_cast %scan3A_160 : i32 to index
        %swap3A_163 = arith.constant 256 : index
        %swap3A_164 = tpu.vector_load %arg6[%swap3A, %swap3A_163] {strides = array<i32>} : memref<64x300xf32, #tpu.memory_space<vmem>>, vector<16xf32>,
        tpu.vector_store %arg6[%swap3A, %swap3A_163], %get3A_162 {strides = array<i32>} : memref<64x300xf32, #tpu.memory_space<vmem>>, vector<16xf32>,
        %get3A_165 = arith.index_cast %scan3A_160 : i32 to index
        %get3A_166 = arith.constant 16 : index
        %get3A_167 = tpu.vector_load %arg8[%get3A_165, %get3A_166] {strides = array<i32>} : memref<64x128xf32, #tpu.memory_space<vmem>>, vector<16xf32>,
        %swap3A_168 = arith.index_cast %scan3A_160 : i32 to index
        %swap3A_169 = arith.constant 272 : index
        %swap3A_170 = tpu.vector_load %arg6[%swap3A_168, %swap3A_169] {strides = array<i32>} : memref<64x300xf32, #tpu.memory_space<vmem>>, vector<16xf32>,
        tpu.vector_store %arg6[%swap3A_168, %swap3A_169], %get3A_167 {strides = array<i32>} : memref<64x300xf32, #tpu.memory_space<vmem>>, vector<16xf32>,
        %get3A_171 = arith.index_cast %scan3A_160 : i32 to index
        %get3A_172 = arith.constant 32 : index
        %get3A_173 = tpu.vector_load %arg8[%get3A_171, %get3A_172] {strides = array<i32>} : memref<64x128xf32, #tpu.memory_space<vmem>>, vector<16xf32>,
        %broadcast_in_dim3A = vector.broadcast %scan3A_160 : i32 to vector<16xi32>
        tpu.vector_store_idx %arg6[%broadcast_in_dim3A, %add3A_5], %get3A_173 masked %lt3A_7 : memref<64x300xf32, #tpu.memory_space<vmem>>[vector<16xi32>, vector<16xi32>], vector<16xf32>, vector<16xi1>
      }
      %scan3A_88 = arith.constant 64 : i32
      %dma_wait3A_89 = arith.constant 0 : i32
      %dma_wait3A_90 = arith.constant 0 : i32
      %dma_wait3A_91 = tpu.memref_slice %arg6[%dma_wait3A_89, %dma_wait3A_90] : memref<64x300xf32, #tpu.memory_space<vmem>> -> memref<64x256xf32, #tpu.memory_space<vmem>>
      %dma_wait3A_92 = arith.constant 0 : i32
      %dma_wait3A_93 = tpu.memref_slice %arg5[%add3A_73, %dma_wait3A_92] : memref<400x64xi32, #tpu.memory_space<vmem>> -> memref<1x64xi32, #tpu.memory_space<vmem>>
      %dma_wait3A_94 = tpu.memref_squeeze %dma_wait3A_93 : memref<1x64xi32, #tpu.memory_space<vmem>> -> memref<64xi32, #tpu.memory_space<vmem>>
      %dma_wait3A_95 = arith.constant 0 : i32
      %dma_wait3A_96 = arith.constant 0 : i32
      %dma_wait3A_97 = tpu.memref_slice %arg3[%dma_wait3A_95, %dma_wait3A_96] : memref<100000x384xf32, #tpu.memory_space<hbm>> -> memref<100000x256xf32, #tpu.memory_space<hbm>>
      %dma_wait3A_98 = arith.constant 0 : i32
      %dma_wait3A_99 = arith.constant 0 : i32
      %dma_wait3A_100 = tpu.memref_slice %dma_wait3A_97[%dma_wait3A_98, %dma_wait3A_99] : memref<100000x256xf32, #tpu.memory_space<hbm>> -> memref<100000x256xf32, #tpu.memory_space<hbm>>
      tpu.wait_indirect_dma semaphore(%arg10 : memref<!tpu.dma_semaphore, #tpu.memory_space<semaphore_mem>>) src(%dma_wait3A_100 : memref<100000x256xf32, #tpu.memory_space<hbm>>) dst(%dma_wait3A_91 : memref<64x256xf32, #tpu.memory_space<vmem>>)
      %mul3A_101 = arith.constant 64 : i32
      %mul3A_102 = arith.muli %add3A_73, %mul3A_101 : i32
      %add3A_103 = arith.addi %mul3A_2, %mul3A_102 : i32
      %dma_start3A_104 = arith.constant 0 : i32
      %dma_start3A_105 = tpu.memref_slice %arg4[%add3A_103, %dma_start3A_104] : memref<819200x300xf32, #tpu.memory_space<hbm>> -> memref<64x300xf32, #tpu.memory_space<hbm>>
      %dma_start3A_106 = arith.constant 0 : i32
      %dma_start3A_107 = tpu.memref_slice %arg4[%add3A_103, %dma_start3A_106] : memref<819200x300xf32, #tpu.memory_space<hbm>> -> memref<64x300xf32, #tpu.memory_space<hbm>>
      tpu.enqueue_dma source(%arg6 : memref<64x300xf32, #tpu.memory_space<vmem>>) target(%dma_start3A_107 : memref<64x300xf32, #tpu.memory_space<hbm>>) target_semaphore(%arg14 : memref<!tpu.dma_semaphore, #tpu.memory_space<semaphore_mem>>)
      %add3A_108 = arith.constant 1 : i32
      %add3A_109 = arith.addi %mul3A_71, %add3A_108 : i32
      %dma_wait3A_110 = arith.constant 0 : i32
      %dma_wait3A_111 = tpu.memref_slice %arg5[%add3A_109, %dma_wait3A_110] : memref<400x64xi32, #tpu.memory_space<vmem>> -> memref<1x64xi32, #tpu.memory_space<vmem>>
      %dma_wait3A_112 = tpu.memref_squeeze %dma_wait3A_111 : memref<1x64xi32, #tpu.memory_space<vmem>> -> memref<64xi32, #tpu.memory_space<vmem>>
      %dma_wait3A_113 = arith.constant 0 : i32
      %dma_wait3A_114 = arith.constant 256 : i32
      %dma_wait3A_115 = tpu.memref_slice %arg3[%dma_wait3A_113, %dma_wait3A_114] : memref<100000x384xf32, #tpu.memory_space<hbm>> -> memref<100000x128xf32, #tpu.memory_space<hbm>>
      %dma_wait3A_116 = arith.constant 0 : i32
      %dma_wait3A_117 = arith.constant 0 : i32
      %dma_wait3A_118 = tpu.memref_slice %dma_wait3A_115[%dma_wait3A_116, %dma_wait3A_117] : memref<100000x128xf32, #tpu.memory_space<hbm>> -> memref<100000x128xf32, #tpu.memory_space<hbm>>
      tpu.wait_indirect_dma semaphore(%arg13 : memref<!tpu.dma_semaphore, #tpu.memory_space<semaphore_mem>>) src(%dma_wait3A_118 : memref<100000x128xf32, #tpu.memory_space<hbm>>) dst(%arg9 : memref<64x128xf32, #tpu.memory_space<vmem>>)
      %scan3A_119 = arith.constant 0 : i32
      %scan3A_120 = arith.constant 0 : i32
      %scan3A_121 = arith.constant 64 : i32
      %scan3A_122 = arith.addi %scan3A_120, %scan3A_121 : i32
      %scan3A_123 = arith.constant 1 : i32
      scf.for %scan3A_160 = %scan3A_120 to %scan3A_122 step %scan3A_123  : i32 {
        %get3A = arith.index_cast %scan3A_160 : i32 to index
        %get3A_161 = arith.constant 0 : index
        %get3A_162 = tpu.vector_load %arg9[%get3A, %get3A_161] {strides = array<i32>} : memref<64x128xf32, #tpu.memory_space<vmem>>, vector<16xf32>,
        %swap3A = arith.index_cast %scan3A_160 : i32 to index
        %swap3A_163 = arith.constant 256 : index
        %swap3A_164 = tpu.vector_load %arg7[%swap3A, %swap3A_163] {strides = array<i32>} : memref<64x300xf32, #tpu.memory_space<vmem>>, vector<16xf32>,
        tpu.vector_store %arg7[%swap3A, %swap3A_163], %get3A_162 {strides = array<i32>} : memref<64x300xf32, #tpu.memory_space<vmem>>, vector<16xf32>,
        %get3A_165 = arith.index_cast %scan3A_160 : i32 to index
        %get3A_166 = arith.constant 16 : index
        %get3A_167 = tpu.vector_load %arg9[%get3A_165, %get3A_166] {strides = array<i32>} : memref<64x128xf32, #tpu.memory_space<vmem>>, vector<16xf32>,
        %swap3A_168 = arith.index_cast %scan3A_160 : i32 to index
        %swap3A_169 = arith.constant 272 : index
        %swap3A_170 = tpu.vector_load %arg7[%swap3A_168, %swap3A_169] {strides = array<i32>} : memref<64x300xf32, #tpu.memory_space<vmem>>, vector<16xf32>,
        tpu.vector_store %arg7[%swap3A_168, %swap3A_169], %get3A_167 {strides = array<i32>} : memref<64x300xf32, #tpu.memory_space<vmem>>, vector<16xf32>,
        %get3A_171 = arith.index_cast %scan3A_160 : i32 to index
        %get3A_172 = arith.constant 32 : index
        %get3A_173 = tpu.vector_load %arg9[%get3A_171, %get3A_172] {strides = array<i32>} : memref<64x128xf32, #tpu.memory_space<vmem>>, vector<16xf32>,
        %broadcast_in_dim3A = vector.broadcast %scan3A_160 : i32 to vector<16xi32>
        tpu.vector_store_idx %arg7[%broadcast_in_dim3A, %add3A_5], %get3A_173 masked %lt3A_7 : memref<64x300xf32, #tpu.memory_space<vmem>>[vector<16xi32>, vector<16xi32>], vector<16xf32>, vector<16xi1>
      }
      %scan3A_124 = arith.constant 64 : i32
      %dma_wait3A_125 = arith.constant 0 : i32
      %dma_wait3A_126 = arith.constant 0 : i32
      %dma_wait3A_127 = tpu.memref_slice %arg7[%dma_wait3A_125, %dma_wait3A_126] : memref<64x300xf32, #tpu.memory_space<vmem>> -> memref<64x256xf32, #tpu.memory_space<vmem>>
      %dma_wait3A_128 = arith.constant 0 : i32
      %dma_wait3A_129 = tpu.memref_slice %arg5[%add3A_109, %dma_wait3A_128] : memref<400x64xi32, #tpu.memory_space<vmem>> -> memref<1x64xi32, #tpu.memory_space<vmem>>
      %dma_wait3A_130 = tpu.memref_squeeze %dma_wait3A_129 : memref<1x64xi32, #tpu.memory_space<vmem>> -> memref<64xi32, #tpu.memory_space<vmem>>
      %dma_wait3A_131 = arith.constant 0 : i32
      %dma_wait3A_132 = arith.constant 0 : i32
      %dma_wait3A_133 = tpu.memref_slice %arg3[%dma_wait3A_131, %dma_wait3A_132] : memref<100000x384xf32, #tpu.memory_space<hbm>> -> memref<100000x256xf32, #tpu.memory_space<hbm>>
      %dma_wait3A_134 = arith.constant 0 : i32
      %dma_wait3A_135 = arith.constant 0 : i32
      %dma_wait3A_136 = tpu.memref_slice %dma_wait3A_133[%dma_wait3A_134, %dma_wait3A_135] : memref<100000x256xf32, #tpu.memory_space<hbm>> -> memref<100000x256xf32, #tpu.memory_space<hbm>>
      tpu.wait_indirect_dma semaphore(%arg11 : memref<!tpu.dma_semaphore, #tpu.memory_space<semaphore_mem>>) src(%dma_wait3A_136 : memref<100000x256xf32, #tpu.memory_space<hbm>>) dst(%dma_wait3A_127 : memref<64x256xf32, #tpu.memory_space<vmem>>)
      %mul3A_137 = arith.constant 64 : i32
      %mul3A_138 = arith.muli %add3A_109, %mul3A_137 : i32
      %add3A_139 = arith.addi %mul3A_2, %mul3A_138 : i32
      %dma_start3A_140 = arith.constant 0 : i32
      %dma_start3A_141 = tpu.memref_slice %arg4[%add3A_139, %dma_start3A_140] : memref<819200x300xf32, #tpu.memory_space<hbm>> -> memref<64x300xf32, #tpu.memory_space<hbm>>
      %dma_start3A_142 = arith.constant 0 : i32
      %dma_start3A_143 = tpu.memref_slice %arg4[%add3A_139, %dma_start3A_142] : memref<819200x300xf32, #tpu.memory_space<hbm>> -> memref<64x300xf32, #tpu.memory_space<hbm>>
      tpu.enqueue_dma source(%arg7 : memref<64x300xf32, #tpu.memory_space<vmem>>) target(%dma_start3A_143 : memref<64x300xf32, #tpu.memory_space<hbm>>) target_semaphore(%arg15 : memref<!tpu.dma_semaphore, #tpu.memory_space<semaphore_mem>>)
      %add3A_144 = arith.constant 0 : i32
      %add3A_145 = arith.addi %mul3A_71, %add3A_144 : i32
      %add3A_146 = arith.constant 2 : i32
      %add3A_147 = arith.addi %add3A_145, %add3A_146 : i32
      %lt3A_148 = arith.constant 400 : i32
      %lt3A_149 = arith.cmpi slt, %add3A_147, %lt3A_148 : i32
      %convert_element_type3A = arith.extui %lt3A_149 : i1 to i32
      %cond3A = arith.constant 0 : i32
      %cond3A_150 = arith.cmpi ne, %convert_element_type3A, %cond3A : i32
      scf.if %cond3A_150 {
        %sub3A = arith.constant 2 : i32
        %sub3A_160 = arith.subi %add3A_147, %sub3A : i32
        %mul3A_161 = arith.constant 64 : i32
        %mul3A_162 = arith.muli %sub3A_160, %mul3A_161 : i32
        %add3A_163 = arith.addi %mul3A_2, %mul3A_162 : i32
        %dma_wait3A_164 = arith.constant 0 : i32
        %dma_wait3A_165 = tpu.memref_slice %arg4[%add3A_163, %dma_wait3A_164] : memref<819200x300xf32, #tpu.memory_space<hbm>> -> memref<64x300xf32, #tpu.memory_space<hbm>>
        %dma_wait3A_166 = arith.constant 0 : i32
        %dma_wait3A_167 = tpu.memref_slice %arg4[%add3A_163, %dma_wait3A_166] : memref<819200x300xf32, #tpu.memory_space<hbm>> -> memref<64x300xf32, #tpu.memory_space<hbm>>
        tpu.wait_dma2 semaphore(%arg14 : memref<!tpu.dma_semaphore, #tpu.memory_space<semaphore_mem>>) src(%arg6 : memref<64x300xf32, #tpu.memory_space<vmem>>) dst(%dma_wait3A_167 : memref<64x300xf32, #tpu.memory_space<hbm>>)
        %dma_start3A_168 = arith.constant 0 : i32
        %dma_start3A_169 = arith.constant 0 : i32
        %dma_start3A_170 = tpu.memref_slice %arg6[%dma_start3A_168, %dma_start3A_169] : memref<64x300xf32, #tpu.memory_space<vmem>> -> memref<64x256xf32, #tpu.memory_space<vmem>>
        %dma_start3A_171 = arith.constant 0 : i32
        %dma_start3A_172 = tpu.memref_slice %arg5[%add3A_147, %dma_start3A_171] : memref<400x64xi32, #tpu.memory_space<vmem>> -> memref<1x64xi32, #tpu.memory_space<vmem>>
        %dma_start3A_173 = tpu.memref_squeeze %dma_start3A_172 : memref<1x64xi32, #tpu.memory_space<vmem>> -> memref<64xi32, #tpu.memory_space<vmem>>
        %dma_start3A_174 = arith.constant 0 : i32
        %dma_start3A_175 = arith.constant 0 : i32
        %dma_start3A_176 = tpu.memref_slice %arg3[%dma_start3A_174, %dma_start3A_175] : memref<100000x384xf32, #tpu.memory_space<hbm>> -> memref<100000x256xf32, #tpu.memory_space<hbm>>
        %dma_start3A_177 = arith.constant 0 : i32
        %dma_start3A_178 = arith.constant 0 : i32
        %dma_start3A_179 = tpu.memref_slice %dma_start3A_176[%dma_start3A_177, %dma_start3A_178] : memref<100000x256xf32, #tpu.memory_space<hbm>> -> memref<100000x256xf32, #tpu.memory_space<hbm>>
        tpu.enqueue_indirect_dma source(%dma_start3A_179 : memref<100000x256xf32, #tpu.memory_space<hbm>>) target(%dma_start3A_170 : memref<64x256xf32, #tpu.memory_space<vmem>>) offsets(%dma_start3A_173 : memref<64xi32, #tpu.memory_space<vmem>>) semaphore(%arg10 : memref<!tpu.dma_semaphore, #tpu.memory_space<semaphore_mem>>)
        %dma_start3A_180 = arith.constant 0 : i32
        %dma_start3A_181 = tpu.memref_slice %arg5[%add3A_147, %dma_start3A_180] : memref<400x64xi32, #tpu.memory_space<vmem>> -> memref<1x64xi32, #tpu.memory_space<vmem>>
        %dma_start3A_182 = tpu.memref_squeeze %dma_start3A_181 : memref<1x64xi32, #tpu.memory_space<vmem>> -> memref<64xi32, #tpu.memory_space<vmem>>
        %dma_start3A_183 = arith.constant 0 : i32
        %dma_start3A_184 = arith.constant 256 : i32
        %dma_start3A_185 = tpu.memref_slice %arg3[%dma_start3A_183, %dma_start3A_184] : memref<100000x384xf32, #tpu.memory_space<hbm>> -> memref<100000x128xf32, #tpu.memory_space<hbm>>
        %dma_start3A_186 = arith.constant 0 : i32
        %dma_start3A_187 = arith.constant 0 : i32
        %dma_start3A_188 = tpu.memref_slice %dma_start3A_185[%dma_start3A_186, %dma_start3A_187] : memref<100000x128xf32, #tpu.memory_space<hbm>> -> memref<100000x128xf32, #tpu.memory_space<hbm>>
        tpu.enqueue_indirect_dma source(%dma_start3A_188 : memref<100000x128xf32, #tpu.memory_space<hbm>>) target(%arg8 : memref<64x128xf32, #tpu.memory_space<vmem>>) offsets(%dma_start3A_182 : memref<64xi32, #tpu.memory_space<vmem>>) semaphore(%arg12 : memref<!tpu.dma_semaphore, #tpu.memory_space<semaphore_mem>>)
      } else {
      }
      %add3A_151 = arith.constant 1 : i32
      %add3A_152 = arith.addi %mul3A_71, %add3A_151 : i32
      %add3A_153 = arith.constant 2 : i32
      %add3A_154 = arith.addi %add3A_152, %add3A_153 : i32
      %lt3A_155 = arith.constant 400 : i32
      %lt3A_156 = arith.cmpi slt, %add3A_154, %lt3A_155 : i32
      %convert_element_type3A_157 = arith.extui %lt3A_156 : i1 to i32
      %cond3A_158 = arith.constant 0 : i32
      %cond3A_159 = arith.cmpi ne, %convert_element_type3A_157, %cond3A_158 : i32
      scf.if %cond3A_159 {
        %sub3A = arith.constant 2 : i32
        %sub3A_160 = arith.subi %add3A_154, %sub3A : i32
        %mul3A_161 = arith.constant 64 : i32
        %mul3A_162 = arith.muli %sub3A_160, %mul3A_161 : i32
        %add3A_163 = arith.addi %mul3A_2, %mul3A_162 : i32
        %dma_wait3A_164 = arith.constant 0 : i32
        %dma_wait3A_165 = tpu.memref_slice %arg4[%add3A_163, %dma_wait3A_164] : memref<819200x300xf32, #tpu.memory_space<hbm>> -> memref<64x300xf32, #tpu.memory_space<hbm>>
        %dma_wait3A_166 = arith.constant 0 : i32
        %dma_wait3A_167 = tpu.memref_slice %arg4[%add3A_163, %dma_wait3A_166] : memref<819200x300xf32, #tpu.memory_space<hbm>> -> memref<64x300xf32, #tpu.memory_space<hbm>>
        tpu.wait_dma2 semaphore(%arg15 : memref<!tpu.dma_semaphore, #tpu.memory_space<semaphore_mem>>) src(%arg7 : memref<64x300xf32, #tpu.memory_space<vmem>>) dst(%dma_wait3A_167 : memref<64x300xf32, #tpu.memory_space<hbm>>)
        %dma_start3A_168 = arith.constant 0 : i32
        %dma_start3A_169 = arith.constant 0 : i32
        %dma_start3A_170 = tpu.memref_slice %arg7[%dma_start3A_168, %dma_start3A_169] : memref<64x300xf32, #tpu.memory_space<vmem>> -> memref<64x256xf32, #tpu.memory_space<vmem>>
        %dma_start3A_171 = arith.constant 0 : i32
        %dma_start3A_172 = tpu.memref_slice %arg5[%add3A_154, %dma_start3A_171] : memref<400x64xi32, #tpu.memory_space<vmem>> -> memref<1x64xi32, #tpu.memory_space<vmem>>
        %dma_start3A_173 = tpu.memref_squeeze %dma_start3A_172 : memref<1x64xi32, #tpu.memory_space<vmem>> -> memref<64xi32, #tpu.memory_space<vmem>>
        %dma_start3A_174 = arith.constant 0 : i32
        %dma_start3A_175 = arith.constant 0 : i32
        %dma_start3A_176 = tpu.memref_slice %arg3[%dma_start3A_174, %dma_start3A_175] : memref<100000x384xf32, #tpu.memory_space<hbm>> -> memref<100000x256xf32, #tpu.memory_space<hbm>>
        %dma_start3A_177 = arith.constant 0 : i32
        %dma_start3A_178 = arith.constant 0 : i32
        %dma_start3A_179 = tpu.memref_slice %dma_start3A_176[%dma_start3A_177, %dma_start3A_178] : memref<100000x256xf32, #tpu.memory_space<hbm>> -> memref<100000x256xf32, #tpu.memory_space<hbm>>
        tpu.enqueue_indirect_dma source(%dma_start3A_179 : memref<100000x256xf32, #tpu.memory_space<hbm>>) target(%dma_start3A_170 : memref<64x256xf32, #tpu.memory_space<vmem>>) offsets(%dma_start3A_173 : memref<64xi32, #tpu.memory_space<vmem>>) semaphore(%arg11 : memref<!tpu.dma_semaphore, #tpu.memory_space<semaphore_mem>>)
        %dma_start3A_180 = arith.constant 0 : i32
        %dma_start3A_181 = tpu.memref_slice %arg5[%add3A_154, %dma_start3A_180] : memref<400x64xi32, #tpu.memory_space<vmem>> -> memref<1x64xi32, #tpu.memory_space<vmem>>
        %dma_start3A_182 = tpu.memref_squeeze %dma_start3A_181 : memref<1x64xi32, #tpu.memory_space<vmem>> -> memref<64xi32, #tpu.memory_space<vmem>>
        %dma_start3A_183 = arith.constant 0 : i32
        %dma_start3A_184 = arith.constant 256 : i32
        %dma_start3A_185 = tpu.memref_slice %arg3[%dma_start3A_183, %dma_start3A_184] : memref<100000x384xf32, #tpu.memory_space<hbm>> -> memref<100000x128xf32, #tpu.memory_space<hbm>>
        %dma_start3A_186 = arith.constant 0 : i32
        %dma_start3A_187 = arith.constant 0 : i32
        %dma_start3A_188 = tpu.memref_slice %dma_start3A_185[%dma_start3A_186, %dma_start3A_187] : memref<100000x128xf32, #tpu.memory_space<hbm>> -> memref<100000x128xf32, #tpu.memory_space<hbm>>
        tpu.enqueue_indirect_dma source(%dma_start3A_188 : memref<100000x128xf32, #tpu.memory_space<hbm>>) target(%arg9 : memref<64x128xf32, #tpu.memory_space<vmem>>) offsets(%dma_start3A_182 : memref<64xi32, #tpu.memory_space<vmem>>) semaphore(%arg13 : memref<!tpu.dma_semaphore, #tpu.memory_space<semaphore_mem>>)
      } else {
      }
    }
    %scan3A_57 = arith.constant 200 : i32
    %add3A_58 = arith.constant 25472 : i32
    %add3A_59 = arith.addi %mul3A_2, %add3A_58 : i32
    %dma_wait3A = arith.constant 0 : i32
    %dma_wait3A_60 = tpu.memref_slice %arg4[%add3A_59, %dma_wait3A] : memref<819200x300xf32, #tpu.memory_space<hbm>> -> memref<64x300xf32, #tpu.memory_space<hbm>>
    %dma_wait3A_61 = arith.constant 0 : i32
    %dma_wait3A_62 = tpu.memref_slice %arg4[%add3A_59, %dma_wait3A_61] : memref<819200x300xf32, #tpu.memory_space<hbm>> -> memref<64x300xf32, #tpu.memory_space<hbm>>
    tpu.wait_dma2 semaphore(%arg14 : memref<!tpu.dma_semaphore, #tpu.memory_space<semaphore_mem>>) src(%arg6 : memref<64x300xf32, #tpu.memory_space<vmem>>) dst(%dma_wait3A_62 : memref<64x300xf32, #tpu.memory_space<hbm>>)
    %add3A_63 = arith.constant 25536 : i32
    %add3A_64 = arith.addi %mul3A_2, %add3A_63 : i32
    %dma_wait3A_65 = arith.constant 0 : i32
    %dma_wait3A_66 = tpu.memref_slice %arg4[%add3A_64, %dma_wait3A_65] : memref<819200x300xf32, #tpu.memory_space<hbm>> -> memref<64x300xf32, #tpu.memory_space<hbm>>
    %dma_wait3A_67 = arith.constant 0 : i32
    %dma_wait3A_68 = tpu.memref_slice %arg4[%add3A_64, %dma_wait3A_67] : memref<819200x300xf32, #tpu.memory_space<hbm>> -> memref<64x300xf32, #tpu.memory_space<hbm>>
    tpu.wait_dma2 semaphore(%arg15 : memref<!tpu.dma_semaphore, #tpu.memory_space<semaphore_mem>>) src(%arg7 : memref<64x300xf32, #tpu.memory_space<vmem>>) dst(%dma_wait3A_68 : memref<64x300xf32, #tpu.memory_space<hbm>>)
    return
  }
}

</mosaic_0001>

<sc_bundles>
// kernel: kernel.3.cloned.1.call-start
scs
__scs_entry_jumppad:
0x0: {  	(pc) =	sbr.rel $0x88, $3  }
0x1: {  	(tag) =	ssettag $0x0;
	lr =	simm.s32 $0x1  }
0x2: {  	[smem:$0x3F9F] =	sst lr;
	_ =	strace $0xD0000000  }
0x3: {  	_ = 	snop  }
0x4: {  	_ = 	snop  }
0x5: {  	_ = 	snop  }
0x6: {  	_ = 	snop  }
0x7: {  	_ = 	snop  }
__scs_overlays_trampoline_lowered:
0x8: {  	[smem:$0x3FAE] =	sst s0  }
0x9: {  	[smem:$0x3FAF] =	sst s1  }
0xa: {  	[smem:$0x3FB0] =	sst s2  }
0xb: {  	[smem:$0x3FB1] =	sst s3  }
0xc: {  	[smem:$0x3FB2] =	sst s4  }
0xd: {  	[smem:$0x3FB3] =	sst s5  }
0xe: {  	[smem:$0x3FB4] =	sst s6  }
0xf: {  	[smem:$0x3FB5] =	sst s7  }
0x10: {  	[smem:$0x3FB6] =	sst s8  }
0x11: {  	[smem:$0x3FB7] =	sst s9;
	s0 =	simm.s32 @!p0 $0x0  }
0x12: {  	s1 =	sld [smem:$0x3F9D];
	s0 =	simm.s32 @p0 $0x1  }
0x13: {  	[smem:$0x3FB8] =	sst s0;
	s0 =	simm.s32 @!p1 $0x0  }
0x14: {  	s2 =	sld [smem:$0x3F9C];
	s0 =	simm.s32 @p1 $0x1  }
0x15: {  	[smem:$0x3FB9] =	sst s0;
	s0 =	simm.s32 @!p2 $0x0  }
0x16: {  	s3 =	sld [smem:$0x3FDB];
	s0 =	simm.s32 @p2 $0x1  }
0x17: {  	s4 =	simm.s32 $0x1BF5;
	[smem:$0x3FBB] =	sst s0  }
0x18: {  	s0 =	sld [smem:$0x3F9E];
	_ =	swait.ge [sflag:s4], $0x0  }
0x19: {  	s7 =	sld [smem:$0x3F9F]  }
0x1a: {  	s8 =	sadd.s32 $0xFFFFE003, lr  }
0x1b: {  	s9 =	sadd.s32 $0xFFFFFEF7, lr;
	s5 =	simm.s32 $0xFFFFFFFF;
	p2 =	slt.u32 s8, $0xFFFFF086  }
0x1c: {  	p1 =	slt.u32 s9, $0xF7A;
	s5 =	simm.s32 @!p2 $0x0  }
0x1d: {  	s5 =	simm.s32 @p1 $0x1;
	p0 =	seq.s32 s7, s2  }
0x1e: {  	s7 =	smul.u32 @!p0 $0xF7A, s2;
	p2 =	seq.s32 @!p0 s5, $0x0  }
0x1f: {  	s9 =	smul.u32 $0xF7A, s1;
	s8 =	simm.s32 @!p0 $0x1BF5;
	p2 =	por !p2, p0  }
0x20: {  	[sflag:s8] =	ssyncset.s32 @!p0 $0xFFFFF086;
	s6 =	sadd.s32 @!p0 s3, s7;
	s7 =	simm.s32 @!p0 $0x108  }
0x21: {  	s3 =	sadd.s32 s3, s9;
	s6 =	sadd.s32 @!p0 $0x88, s6;
	s7 =	simm.s32 @p2 $0x1082  }
0x22: {  	[simem:s7], [sflag:s8] =	dma.local @!p0 [hbm:s6], $0xF7A  }
0x23: {  	s9 =	sor.u32 $0xD0000000, s2;
	s6 =	simm.s32 $0x108;
	_ =	swait.ge @!p0 [sflag:s8], $0x0  }
0x24: {  	s3 =	sadd.s32 $0x88, s3;
	s6 =	simm.s32 @!p1 $0x1082;
	[sflag:s4] =	ssyncset.s32 $0xFFFFF086  }
0x25: {  	[simem:s6], [sflag:s4] =	dma.local [hbm:s3], $0xF7A  }
0x26: {  	[smem:$0x3F9F] =	sst s1;
	(tag) =	ssettag s2;
	_ =	strace s9  }
0x27: {  	s1 =	sld [smem:$0x3FAF]  }
0x28: {  	s2 =	sld [smem:$0x3FB0]  }
0x29: {  	s4 =	sld [smem:$0x3FB2]  }
0x2a: {  	p0 =	seq.s32 s5, $0x0;
	s5 =	sld [smem:$0x3FB3]  }
0x2b: {  	s6 =	sld [smem:$0x3FB4]  }
0x2c: {  	s7 =	sld [smem:$0x3FB5]  }
0x2d: {  	s3 =	simm.s32 $0x108;
	s8 =	sld [smem:$0x3FB6]  }
0x2e: {  	s3 =	simm.s32 @!p0 $0x1082;
	s9 =	sld [smem:$0x3FB7]  }
0x2f: {  	lr =	sadd.s32 s0, s3;
	s0 =	sld [smem:$0x3FAE]  }
0x30: {  	s3 =	sld [smem:$0x3FB1]  }
0x31: {  	[smem:$0x3FBA] =	sst s10  }
0x32: {  	s10 =	sld [smem:$0x3FB8];
	_ =	sdelay $0x3  }
0x33: {  	p0 =	seq.s32 s10, $0x1;
	s10 =	sld [smem:$0x3FBA];
	_ =	sdelay $0x3  }
0x34: {  	[smem:$0x3FBA] =	sst s10  }
0x35: {  	s10 =	sld [smem:$0x3FB9];
	_ =	sdelay $0x3  }
0x36: {  	p1 =	seq.s32 s10, $0x1;
	s10 =	sld [smem:$0x3FBA];
	_ =	sdelay $0x3  }
0x37: {  	[smem:$0x3FBA] =	sst s10  }
0x38: {  	s10 =	sld [smem:$0x3FBB]  }
0x39: {  	_ = 	snop;
	(pc) =	sbr.ind lr, $3  }
0x3a: {  	_ = 	snop  }
0x3b: {  	_ = 	snop  }
0x3c: {  	p2 =	seq.s32 s10, $0x1;
	s10 =	sld [smem:$0x3FBA]  }
0x3d: {  	_ =	shalt  }
0x3e: {  	_ =	shalt  }
0x3f: {  	_ =	shalt  }
0x40: {  	_ =	shalt  }
0x41: {  	_ =	shalt  }
0x42: {  	_ =	shalt  }
0x43: {  	_ =	shalt  }
0x44: {  	_ =	shalt  }
0x45: {  	_ =	shalt  }
0x46: {  	_ =	shalt  }
0x47: {  	_ =	shalt  }
0x48: {  	_ =	shalt  }
0x49: {  	_ =	shalt  }
0x4a: {  	_ =	shalt  }
0x4b: {  	_ =	shalt  }
0x4c: {  	_ =	shalt  }
0x4d: {  	_ =	shalt  }
0x4e: {  	_ =	shalt  }
0x4f: {  	_ =	shalt  }
0x50: {  	_ =	shalt  }
0x51: {  	_ =	shalt  }
0x52: {  	_ =	shalt  }
0x53: {  	_ =	shalt  }
0x54: {  	_ =	shalt  }
0x55: {  	_ =	shalt  }
0x56: {  	_ =	shalt  }
0x57: {  	_ =	shalt  }
0x58: {  	_ =	shalt  }
0x59: {  	_ =	shalt  }
0x5a: {  	_ =	shalt  }
0x5b: {  	_ =	shalt  }
0x5c: {  	_ =	shalt  }
0x5d: {  	_ =	shalt  }
0x5e: {  	_ =	shalt  }
0x5f: {  	_ =	shalt  }
0x60: {  	_ =	shalt  }
0x61: {  	_ =	shalt  }
0x62: {  	_ =	shalt  }
0x63: {  	_ =	shalt  }
0x64: {  	_ =	shalt  }
0x65: {  	_ =	shalt  }
0x66: {  	_ =	shalt  }
0x67: {  	_ =	shalt  }
0x68: {  	_ =	shalt  }
0x69: {  	_ =	shalt  }
0x6a: {  	_ =	shalt  }
0x6b: {  	_ =	shalt  }
0x6c: {  	_ =	shalt  }
0x6d: {  	_ =	shalt  }
0x6e: {  	_ =	shalt  }
0x6f: {  	_ =	shalt  }
0x70: {  	_ =	shalt  }
0x71: {  	_ =	shalt  }
0x72: {  	_ =	shalt  }
0x73: {  	_ =	shalt  }
0x74: {  	_ =	shalt  }
0x75: {  	_ =	shalt  }
0x76: {  	_ =	shalt  }
0x77: {  	_ =	shalt  }
0x78: {  	_ =	shalt  }
0x79: {  	_ =	shalt  }
0x7a: {  	_ =	shalt  }
0x7b: {  	_ =	shalt  }
0x7c: {  	_ =	shalt  }
0x7d: {  	_ =	shalt  }
0x7e: {  	_ =	shalt  }
0x7f: {  	_ =	shalt  }
0x80: {  	_ =	shalt  }
0x81: {  	_ =	shalt  }
0x82: {  	_ =	shalt  }
0x83: {  	_ =	shalt  }
0x84: {  	_ =	shalt  }
0x85: {  	_ =	shalt  }
0x86: {  	_ =	shalt  }
0x87: {  	_ =	shalt  }
.Lfunc_end0:
.L_simem_size_0:
called_computation.1_lowered:
.L_overlay_start_0:
0x88: {  	s2 =	sld [smem:$0x3FD9]  }
0x89: {  	s3 =	sld [smem:$0x3FFE];
	_ =	sdelay $0x1  }
0x8a: {  	s1 =	srdreg.scid  }
0x8b: {  	s0 =	sand.u32 $0x1, s1  }
0x8c: {  	s16 =	sshll.u32 s0, $0xA;
	s2 =	sadd.s32 s3, s2  }
0x8d: {  	s2 =	sadd.s32 s2, s16  }
0x8e: {  	[smem:$0x3FC6] =	sst s2  }
0x8f: {  	_ = 	snop  }
0x90: {  	(tm) =	ssettm $0x1  }
0x91: {  	s17 =	sld [smem:$0x3FFB];
	_ =	sdelay $0x3  }
0x92: {  	_ =	strace s17  }
0x93: {  	s2 =	sld [smem:$0x3FFC];
	_ =	sdelay $0x3  }
0x94: {  	_ =	strace s2  }
0x95: {  	s2 =	sld [smem:$0x3FFD];
	_ =	sdelay $0x3  }
0x96: {  	_ =	strace s2  }
0x97: {  	_ =	strace $0x8FFFFFFF  }
0x98: {  	s18 =	sld [smem:$0x3FDB];
	_ =	sdelay $0x1  }
0x99: {  	s19 =	simm.s32 $_scs_section_size  }
0x9a: {  	s4 =	simm.s32 $_size__tile_overlayer_lowered;
	s5 =	simm.s32 $_tile_overlayer_lowered  }
0x9b: {  	s22 =	simm.s32 $0x1BFF;
	s21 =	sshll.u32 s5, $0x1;
	s2 =	sadd.s32 s19, s18  }
0x9c: {  	s6 =	simm.s32 $0x0;
	s20 =	sshll.u32 s4, $0x1;
	s4 =	sadd.s32 s21, s2  }
0x9d: {  	[timem:s6], [sflag:s22] =	dma.local [hbm:s4], s20  }
0x9e: {  	_ =	swait.ge [sflag:s22], s20  }
0x9f: {  	s3 =	ssub.s32 $0x0, s20;
	[sflag:s22] =	ssyncset.done $0x0  }
0xa0: {  	[sflag:s22] =	ssyncadd.s32 s3;
	_ =	sdelay $0x1  }
0xa1: {  	s23 =	simm.s32 $0x1B8B  }
0xa2: {  	_ =	swait.ge [sflag:s23], $0x1  }
0xa3: {  	[sflag:s23] =	ssyncset.done $0x0  }
0xa4: {  	s25 =	simm.s32 $0x1B8E;
	s24 =	sld [smem:$0x3FFE];
	[sflag:s23] =	ssyncadd.s32 $0xFFFFFFFF  }
0xa5: {  	s26 =	simm.s32 $execute0_lowered;
	[smem:$0x3FD2] =	sst s25  }
0xa6: {  	s4 =	sshll.u32 s26, $0x1;
	_ =	strace $0x80000046;
	[dreg:$0x1] =	wrdreg $0xFFFFFFFF  }
0xa7: {  	s28 =	simm.s32 $_size_execute0_lowered;
	s2 =	sadd.s32 s2, s4;
	[dreg:$0x0] =	wrdreg $0x0  }
0xa8: {  	s4 =	sshll.u32 s28, $0x1;
	[dreg:$0x2] =	wrdreg s2  }
0xa9: {  	[dreg:$0x3] =	wrdreg s4  }
0xaa: {  	[dreg:$0x4] =	wrdreg $0xC0  }
0xab: {  	_ =	task [dreg:s6], $0x5FFFF  }
0xac: {  	[dreg:$0x1] =	wrdreg $0xFFFFFFFF  }
0xad: {  	[dreg:$0x0] =	wrdreg $0x60  }
0xae: {  	[dreg:$0x2] =	wrdreg s24  }
0xaf: {  	[dreg:$0x3] =	wrdreg $0x9  }
0xb0: {  	_ =	task.clear_ibuf [dreg:s6], $0x4FFFF;
	_ =	strace $0x90000046  }
0xb1: {  	s29 =	simm.s32 $0x9;
	_ =	strace $0x80000048  }
0xb2: {  	_ =	swait.ge [sflag:s29], $0x1  }
0xb3: {  	[sflag:s29] =	ssyncadd.s32 $0xFFFFFFFF  }
0xb4: {  	_ =	strace $0x90000048  }
0xb5: {  	_ =	sfence  }
0xb6: {  	s30 =	sld [smem:$0x0];
	_ =	sdelay $0x2  }
0xb7: {  	s31 =	sshll.u32 s1, $0xD;
	s1 =	sshrl.u32 s1, $0x2  }
0xb8: {  	s3 =	sand.u32 $0x4000, s31;
	s1 =	sadd.s32 s1, s30  }
0xb9: {  	s0 =	sor.u32 s3, s0;
	s1 =	sshll.u32 s1, $0x11  }
0xba: {  	s0 =	sor.u32 s1, s0  }
0xbb: {  	s0 =	sadd.s32 $0x8F2B, s0  }
0xbc: {  	[sflag:s0] =	ssyncadd.remote.s32 $0x1  }
0xbd: {  	_ =	sfence.sel $0xFFFF  }
0xbe: {  	[dreg:$0x0] =	wrdreg $0xFFFFFFFF;
	(pc) =	sbr.abs _section_cstart, $3  }
0xbf: {  	[dreg:$0x1] =	wrdreg $0xFFFFFFFF  }
0xc0: {  	_ =	task.clear_ibuf [dreg:s6], $0x2FFFF;
	_ =	strace $0x9FFFFFFF  }
0xc1: {  	(tm) =	ssettm $0x7FFFFFFF  }
tec
execute0_lowered:
.L_overlay_start_1:
0x0: {  	(tag) =	ssettag $0x1  }
0x1: {  	s0 =	srdreg.scid  }
0x2: {  	s2 =	stileid.u32;
	s1 =	rddreg [dreg:$0x0]  }
0x3: {  	s11 =	simm.s32 $0xC800;
	s10 =	simm.s32 $0x12800;
	s29 =	simm.s32 $0x1C380  }
0x4: {  	s30 =	simm.s32 $0x1C400;
	s31 =	simm.s32 $0x1C480;
	s9 =	simm.s32 $0x1C680  }
0x5: {  	s12 =	simm.s32 $0x1C700;
	s13 =	simm.s32 $0x1C780;
	s14 =	simm.s32 $0x3  }
0x6: {  	s15 =	simm.s32 $0x1;
	s16 =	simm.s32 $0x4;
	s17 =	simm.s32 $0x2  }
0x7: {  	v20 =	vlaneseq.u32;
	s18 =	simm.s32 $0x5;
	s0 =	sand.u32 $0x1, s0;
	s3 =	sshll.u32 s2, $0x1  }
0x8: {  	v1 =	vimm.s32 $0x7;
	v3 =	vimm.s32 $0x3;
	vm0 =	vmmov $0xffff;
	s19 =	simm.s32 $0x6;
	s21 =	simm.s32 $0x0;
	s3 =	sor.u32 s0, s3  }
0x9: {  	v5 =	vimm.s32 $0x0;
	vm1 =	vmmov $0x1;
	v7 =	vimm.s32 $0x1;
	s2 =	simm.s32 $0x0;
	s5 =	sadd.s32 $0x4C6600, s1;
	s4 =	smul.u32 $0x1900, s3  }
0xa: {  	v8 =	vimm.s32 $0x2;
	v9 =	vimm.s32 $0x4;
	v10 =	vimm.s32 $0x5;
	[smem:$0x7FF] =	sst s2;
	s0 =	ssub.s32 $0x2, s0;
	s3 =	smul.u32 $0x6400, s3  }
.Ltmp0:
0xb: {  	v11 =	vimm.s32 $0x6;
	v12 =	vimm.s32 $0x8;
	v13 =	vimm.s32 $0x9;
	_ =	strace $0x80000047;
	s7 =	sshrl.u32 s0, $0x1;
	(pc) =	sbr.rel .LBB2_1-.Ltmp0, $4  }
0xc: {  	v14 =	vimm.s32 $0xA;
	v15 =	vimm.s32 $0xB;
	v16 =	vimm.s32 $0xC;
	s0 =	ssub.s32 s0, s7;
	s7 =	sadd.s32 $0x32900, s1;
	s6 =	sadd.s32 s4, s1  }
0xd: {  	v17 =	vimm.s32 $0xD;
	v18 =	vimm.s32 $0xE;
	v19 =	vimm.s32 $0xF;
	s4 =	sadd.s32 $0x32800, s1;
	s8 =	sor.u32 $0x40, s3;
	s0 =	smax.u32 s0, $0x1  }
0xe: {  	v0 =	vand.u32 $0x7, v20;
	v2 =	vshrl.u32 v20, $0x3;
	v4 =	vor.u32 $0x8, v20;
	s1 =	simm.s32 $0x1C500;
	s6 =	sadd.s32 $0x800, s6;
	[dreg:$0x3] =	wrdreg s0  }
0xf: {  	v6 =	vmul.u32 $0x8, v20;
	v20 =	vor.u32 $0x20, v20;
	v2 =	vmul.u32 $0x8, v2;
	s0 =	simm.s32 $0x1C580;
	[dreg:$0x2] =	wrdreg s6;
	s6 =	simm.s32 $0x1C600  }
.LBB2_8:
0x10: {  	_ =	swait.ge [sflag:s18], $0x6000  }
0x11: {  	[sflag:s18] =	ssyncset.done $0x0  }
0x12: {  	[sflag:s18] =	ssyncadd.s32 $0xFFFFA000  }
0x13: {  	_ =	swait.ge [sflag:s19], $0x6000  }
0x14: {  	s21 =	rddreg [dreg:$0x4]  }
0x15: {  	s20 =	rddreg [dreg:$0x3];
	s21 =	sadd.s32 $0x1, s21  }
0x16: {  	p0 =	sne.s32 s21, s20  }
.Ltmp1:
0x17: {  	_ = 	snop;
	(pc) =	sbr.rel @!p0 .LBB2_9-.Ltmp1, $3  }
0x18: {  	_ =	sdelay $0x1  }
0x19: {  	[sflag:s19] =	ssyncset.done $0x0  }
0x1a: {  	[sflag:s19] =	ssyncadd.s32 $0xFFFFA000  }
.LBB2_1:
0x1b: {  	[dreg:$0x4] =	wrdreg s21  }
0x1c: {  	s20 =	rddreg [dreg:$0x2];
	s28 =	simm.s32 $0x7  }
0x1d: {  	[tilespmem:s2], [sflag:$0x7] =	stream.linear.gather [hbm4b:s20+s2], $0xC800, $0x38;
	[tilespmem:$0x1C800] =	vst v63  }
0x1e: {  	_ =	swait.ge [sflag:s28], $0xC800  }
0x1f: {  	[sflag:s28] =	ssyncset.done $0x0  }
0x20: {  	[sflag:s28] =	ssyncadd.s32 $0xFFFF3800  }
0x21: {  	v21 =	vld [tilespmem:$0x0];
	_ =	sdelay $0x4  }
0x22: {  	v22 =	vshrl.u32 v21, $0x3  }
0x23: {  	v22 =	vmul.u32 $0x18, v22  }
0x24: {  	v21 =	vand.u32 $0x7, v21  }
0x25: {  	v21 =	vor.u32 v21, v22  }
0x26: {  	v22 =	vperm.xlane v21, v0;
	_ =	sdelay $0x1  }
0x27: {  	v21 =	vperm.xlane v21, v4;
	v22 =	vadd.s32 v2, v22;
	_ =	sdelay $0x1  }
0x28: {  	v21 =	vadd.s32 v2, v21;
	_ =	sdelay $0x2  }
0x29: {  	[tilespmem:s11], [sflag:$0x1] =	stream.indirect_vreg.gather [hbm4b:s4+s2], $0x80, v22, vm0, $0xb8;
	[tilespmem:$0x1C800] =	vst v63  }
0x2a: {  	s21 =	simm.s32 $0xD400  }
0x2b: {  	[tilespmem:s21], [sflag:$0x1] =	stream.indirect_vreg.gather [hbm4b:s4+s2], $0x80, v21, vm0, $0xb8;
	[tilespmem:$0x1C800] =	vst v63  }
0x2c: {  	v21 =	vld [tilespmem:$0x10];
	_ =	sdelay $0x4  }
0x2d: {  	v22 =	vshrl.u32 v21, $0x3  }
0x2e: {  	v22 =	vmul.u32 $0x18, v22  }
0x2f: {  	v21 =	vand.u32 $0x7, v21  }
0x30: {  	v21 =	vor.u32 v21, v22  }
0x31: {  	v22 =	vperm.xlane v21, v0;
	_ =	sdelay $0x1  }
0x32: {  	v21 =	vperm.xlane v21, v4;
	v22 =	vadd.s32 v2, v22;
	_ =	sdelay $0x1  }
0x33: {  	v21 =	vadd.s32 v2, v21;
	_ =	sdelay $0x1  }
0x34: {  	s22 =	simm.s32 $0xE000  }
0x35: {  	[tilespmem:s22], [sflag:$0x1] =	stream.indirect_vreg.gather [hbm4b:s4+s2], $0x80, v22, vm0, $0xb8;
	[tilespmem:$0x1C800] =	vst v63  }
0x36: {  	s23 =	simm.s32 $0xEC00  }
0x37: {  	[tilespmem:s23], [sflag:$0x1] =	stream.indirect_vreg.gather [hbm4b:s4+s2], $0x80, v21, vm0, $0xb8;
	[tilespmem:$0x1C800] =	vst v63  }
0x38: {  	v21 =	vld [tilespmem:$0x20];
	_ =	sdelay $0x4  }
0x39: {  	v22 =	vshrl.u32 v21, $0x3  }
0x3a: {  	v22 =	vmul.u32 $0x18, v22  }
0x3b: {  	v21 =	vand.u32 $0x7, v21  }
0x3c: {  	v21 =	vor.u32 v21, v22  }
0x3d: {  	v22 =	vperm.xlane v21, v0;
	_ =	sdelay $0x1  }
0x3e: {  	v21 =	vperm.xlane v21, v4;
	v22 =	vadd.s32 v2, v22;
	_ =	sdelay $0x1  }
0x3f: {  	v21 =	vadd.s32 v2, v21;
	_ =	sdelay $0x1  }
0x40: {  	s24 =	simm.s32 $0xF800  }
0x41: {  	[tilespmem:s24], [sflag:$0x1] =	stream.indirect_vreg.gather [hbm4b:s4+s2], $0x80, v22, vm0, $0xb8;
	[tilespmem:$0x1C800] =	vst v63  }
0x42: {  	s25 =	simm.s32 $0x10400  }
0x43: {  	[tilespmem:s25], [sflag:$0x1] =	stream.indirect_vreg.gather [hbm4b:s4+s2], $0x80, v21, vm0, $0xb8;
	[tilespmem:$0x1C800] =	vst v63  }
0x44: {  	v21 =	vld [tilespmem:$0x30];
	_ =	sdelay $0x4  }
0x45: {  	v22 =	vshrl.u32 v21, $0x3  }
0x46: {  	v22 =	vmul.u32 $0x18, v22  }
0x47: {  	v21 =	vand.u32 $0x7, v21  }
0x48: {  	v21 =	vor.u32 v21, v22  }
0x49: {  	v22 =	vperm.xlane v21, v0;
	_ =	sdelay $0x1  }
0x4a: {  	v21 =	vperm.xlane v21, v4;
	v22 =	vadd.s32 v2, v22;
	_ =	sdelay $0x1  }
0x4b: {  	v21 =	vadd.s32 v2, v21;
	_ =	sdelay $0x1  }
0x4c: {  	s26 =	simm.s32 $0x11000  }
0x4d: {  	[tilespmem:s26], [sflag:$0x1] =	stream.indirect_vreg.gather [hbm4b:s4+s2], $0x80, v22, vm0, $0xb8;
	[tilespmem:$0x1C800] =	vst v63  }
0x4e: {  	s28 =	simm.s32 $0x11C00  }
0x4f: {  	[tilespmem:s28], [sflag:$0x1] =	stream.indirect_vreg.gather [hbm4b:s4+s2], $0x80, v21, vm0, $0xb8;
	[tilespmem:$0x1C800] =	vst v63  }
0x50: {  	v21 =	vld [tilespmem:$0x0];
	_ =	sdelay $0x4  }
0x51: {  	v22 =	vshrl.u32 v21, $0x3  }
0x52: {  	v22 =	vmul.u32 $0x18, v22  }
0x53: {  	v21 =	vand.u32 $0x7, v21  }
0x54: {  	v21 =	vor.u32 v21, v22  }
0x55: {  	v22 =	vperm.xlane v21, v5;
	_ =	sdelay $0x1  }
0x56: {  	v23 =	vperm.xlane v21, v7;
	v22 =	vadd.s32 v6, v22;
	_ =	sdelay $0x1  }
0x57: {  	v24 =	vperm.xlane v21, v8;
	v23 =	vadd.s32 v6, v23;
	_ =	sdelay $0x1  }
0x58: {  	s21 =	simm.s32 $0x18800;
	v25 =	vperm.xlane v21, v3;
	v24 =	vadd.s32 v6, v24  }
0x59: {  	[tilespmem:s21], [sflag:$0x3] =	stream.indirect_vreg.gather [hbm4b:s7+s2], $0x80, v22, vm1, $0xb8;
	[tilespmem:$0x1C800] =	vst v63  }
0x5a: {  	s22 =	simm.s32 $0x18880;
	v38 =	vperm.xlane v21, v9;
	v22 =	vadd.s32 v6, v25  }
0x5b: {  	[tilespmem:s22], [sflag:$0x3] =	stream.indirect_vreg.gather [hbm4b:s7+s2], $0x80, v23, vm1, $0xb8;
	[tilespmem:$0x1C800] =	vst v63  }
0x5c: {  	s23 =	simm.s32 $0x18900;
	v39 =	vperm.xlane v21, v10;
	v23 =	vadd.s32 v6, v38  }
0x5d: {  	[tilespmem:s23], [sflag:$0x3] =	stream.indirect_vreg.gather [hbm4b:s7+s2], $0x80, v24, vm1, $0xb8;
	[tilespmem:$0x1C800] =	vst v63  }
0x5e: {  	s24 =	simm.s32 $0x18980;
	v41 =	vperm.xlane v21, v11;
	v40 =	vadd.s32 v6, v39  }
0x5f: {  	[tilespmem:s24], [sflag:$0x3] =	stream.indirect_vreg.gather [hbm4b:s7+s2], $0x80, v22, vm1, $0xb8;
	[tilespmem:$0x1C800] =	vst v63  }
0x60: {  	s25 =	simm.s32 $0x18A00;
	v42 =	vperm.xlane v21, v1;
	v22 =	vadd.s32 v6, v41  }
0x61: {  	[tilespmem:s25], [sflag:$0x3] =	stream.indirect_vreg.gather [hbm4b:s7+s2], $0x80, v23, vm1, $0xb8;
	[tilespmem:$0x1C800] =	vst v63  }
0x62: {  	s26 =	simm.s32 $0x18A80;
	v43 =	vperm.xlane v21, v12;
	v23 =	vadd.s32 v6, v42  }
0x63: {  	[tilespmem:s26], [sflag:$0x3] =	stream.indirect_vreg.gather [hbm4b:s7+s2], $0x80, v40, vm1, $0xb8;
	[tilespmem:$0x1C800] =	vst v63  }
0x64: {  	s28 =	simm.s32 $0x18B00;
	v45 =	vperm.xlane v21, v13;
	v44 =	vadd.s32 v6, v43  }
0x65: {  	[tilespmem:s28], [sflag:$0x3] =	stream.indirect_vreg.gather [hbm4b:s7+s2], $0x80, v22, vm1, $0xb8;
	[tilespmem:$0x1C800] =	vst v63  }
0x66: {  	v46 =	vperm.xlane v21, v14;
	s21 =	simm.s32 $0x18B80;
	v22 =	vadd.s32 v6, v45  }
0x67: {  	[tilespmem:s21], [sflag:$0x3] =	stream.indirect_vreg.gather [hbm4b:s7+s2], $0x80, v23, vm1, $0xb8;
	[tilespmem:$0x1C800] =	vst v63  }
0x68: {  	v47 =	vperm.xlane v21, v15;
	s22 =	simm.s32 $0x18C00;
	v23 =	vadd.s32 v6, v46  }
0x69: {  	[tilespmem:s22], [sflag:$0x3] =	stream.indirect_vreg.gather [hbm4b:s7+s2], $0x80, v44, vm1, $0xb8;
	[tilespmem:$0x1C800] =	vst v63  }
0x6a: {  	v49 =	vperm.xlane v21, v16;
	v48 =	vadd.s32 v6, v47;
	s23 =	simm.s32 $0x18C80  }
0x6b: {  	[tilespmem:s23], [sflag:$0x3] =	stream.indirect_vreg.gather [hbm4b:s7+s2], $0x80, v22, vm1, $0xb8;
	[tilespmem:$0x1C800] =	vst v63  }
0x6c: {  	v50 =	vperm.xlane v21, v17;
	s24 =	simm.s32 $0x18D00;
	v22 =	vadd.s32 v6, v49  }
0x6d: {  	[tilespmem:s24], [sflag:$0x3] =	stream.indirect_vreg.gather [hbm4b:s7+s2], $0x80, v23, vm1, $0xb8;
	[tilespmem:$0x1C800] =	vst v63  }
0x6e: {  	v51 =	vperm.xlane v21, v18;
	s25 =	simm.s32 $0x18D80;
	v23 =	vadd.s32 v6, v50  }
0x6f: {  	[tilespmem:s25], [sflag:$0x3] =	stream.indirect_vreg.gather [hbm4b:s7+s2], $0x80, v48, vm1, $0xb8;
	[tilespmem:$0x1C800] =	vst v63  }
0x70: {  	v21 =	vperm.xlane v21, v19;
	v52 =	vadd.s32 v6, v51;
	s26 =	simm.s32 $0x18E00  }
0x71: {  	[tilespmem:s26], [sflag:$0x3] =	stream.indirect_vreg.gather [hbm4b:s7+s2], $0x80, v22, vm1, $0xb8;
	[tilespmem:$0x1C800] =	vst v63  }
0x72: {  	v21 =	vadd.s32 v6, v21;
	s28 =	simm.s32 $0x18E80  }
0x73: {  	[tilespmem:s28], [sflag:$0x3] =	stream.indirect_vreg.gather [hbm4b:s7+s2], $0x80, v23, vm1, $0xb8;
	[tilespmem:$0x1C800] =	vst v63  }
0x74: {  	s21 =	simm.s32 $0x18F00  }
0x75: {  	[tilespmem:s21], [sflag:$0x3] =	stream.indirect_vreg.gather [hbm4b:s7+s2], $0x80, v52, vm1, $0xb8;
	[tilespmem:$0x1C800] =	vst v63  }
0x76: {  	s22 =	simm.s32 $0x18F80  }
0x77: {  	[tilespmem:s22], [sflag:$0x3] =	stream.indirect_vreg.gather [hbm4b:s7+s2], $0x80, v21, vm1, $0xb8;
	[tilespmem:$0x1C800] =	vst v63  }
0x78: {  	v21 =	vld [tilespmem:$0x10];
	_ =	sdelay $0x4  }
0x79: {  	v22 =	vshrl.u32 v21, $0x3  }
0x7a: {  	v22 =	vmul.u32 $0x18, v22  }
0x7b: {  	v21 =	vand.u32 $0x7, v21  }
0x7c: {  	v21 =	vor.u32 v21, v22  }
0x7d: {  	v22 =	vperm.xlane v21, v5;
	_ =	sdelay $0x1  }
0x7e: {  	v23 =	vperm.xlane v21, v7;
	v22 =	vadd.s32 v6, v22;
	_ =	sdelay $0x1  }
0x7f: {  	v53 =	vperm.xlane v21, v8;
	v23 =	vadd.s32 v6, v23;
	_ =	sdelay $0x1  }
0x80: {  	s23 =	simm.s32 $0x19000;
	v54 =	vperm.xlane v21, v3;
	v24 =	vadd.s32 v6, v53  }
0x81: {  	[tilespmem:s23], [sflag:$0x3] =	stream.indirect_vreg.gather [hbm4b:s7+s2], $0x80, v22, vm1, $0xb8;
	[tilespmem:$0x1C800] =	vst v63  }
0x82: {  	s24 =	simm.s32 $0x19080;
	v55 =	vperm.xlane v21, v9;
	v22 =	vadd.s32 v6, v54  }
0x83: {  	[tilespmem:s24], [sflag:$0x3] =	stream.indirect_vreg.gather [hbm4b:s7+s2], $0x80, v23, vm1, $0xb8;
	[tilespmem:$0x1C800] =	vst v63  }
0x84: {  	s25 =	simm.s32 $0x19100;
	v56 =	vperm.xlane v21, v10;
	v23 =	vadd.s32 v6, v55  }
0x85: {  	[tilespmem:s25], [sflag:$0x3] =	stream.indirect_vreg.gather [hbm4b:s7+s2], $0x80, v24, vm1, $0xb8;
	[tilespmem:$0x1C800] =	vst v63  }
0x86: {  	s26 =	simm.s32 $0x19180;
	v58 =	vperm.xlane v21, v11;
	v57 =	vadd.s32 v6, v56  }
0x87: {  	[tilespmem:s26], [sflag:$0x3] =	stream.indirect_vreg.gather [hbm4b:s7+s2], $0x80, v22, vm1, $0xb8;
	[tilespmem:$0x1C800] =	vst v63  }
0x88: {  	s28 =	simm.s32 $0x19200;
	v59 =	vperm.xlane v21, v1;
	v22 =	vadd.s32 v6, v58  }
0x89: {  	[tilespmem:s28], [sflag:$0x3] =	stream.indirect_vreg.gather [hbm4b:s7+s2], $0x80, v23, vm1, $0xb8;
	[tilespmem:$0x1C800] =	vst v63  }
0x8a: {  	s21 =	simm.s32 $0x19280;
	v60 =	vperm.xlane v21, v12;
	v23 =	vadd.s32 v6, v59  }
0x8b: {  	[tilespmem:s21], [sflag:$0x3] =	stream.indirect_vreg.gather [hbm4b:s7+s2], $0x80, v57, vm1, $0xb8;
	[tilespmem:$0x1C800] =	vst v63  }
0x8c: {  	s22 =	simm.s32 $0x19300;
	v62 =	vperm.xlane v21, v13;
	v61 =	vadd.s32 v6, v60  }
0x8d: {  	[tilespmem:s22], [sflag:$0x3] =	stream.indirect_vreg.gather [hbm4b:s7+s2], $0x80, v22, vm1, $0xb8;
	[tilespmem:$0x1C800] =	vst v63  }
0x8e: {  	v63 =	vperm.xlane v21, v14;
	s23 =	simm.s32 $0x19380;
	v22 =	vadd.s32 v6, v62  }
0x8f: {  	[tilespmem:s23], [sflag:$0x3] =	stream.indirect_vreg.gather [hbm4b:s7+s2], $0x80, v23, vm1, $0xb8;
	[tilespmem:$0x1C800] =	vst v63  }
0x90: {  	v28 =	vperm.xlane v21, v15;
	s24 =	simm.s32 $0x19400;
	v23 =	vadd.s32 v6, v63  }
0x91: {  	[tilespmem:s24], [sflag:$0x3] =	stream.indirect_vreg.gather [hbm4b:s7+s2], $0x80, v61, vm1, $0xb8;
	[tilespmem:$0x1C800] =	vst v63  }
0x92: {  	v30 =	vperm.xlane v21, v16;
	v29 =	vadd.s32 v6, v28;
	s25 =	simm.s32 $0x19480  }
0x93: {  	[tilespmem:s25], [sflag:$0x3] =	stream.indirect_vreg.gather [hbm4b:s7+s2], $0x80, v22, vm1, $0xb8;
	[tilespmem:$0x1C800] =	vst v63  }
0x94: {  	v31 =	vperm.xlane v21, v17;
	s26 =	simm.s32 $0x19500;
	v22 =	vadd.s32 v6, v30  }
0x95: {  	[tilespmem:s26], [sflag:$0x3] =	stream.indirect_vreg.gather [hbm4b:s7+s2], $0x80, v23, vm1, $0xb8;
	[tilespmem:$0x1C800] =	vst v63  }
0x96: {  	v32 =	vperm.xlane v21, v18;
	s28 =	simm.s32 $0x19580;
	v23 =	vadd.s32 v6, v31  }
0x97: {  	[tilespmem:s28], [sflag:$0x3] =	stream.indirect_vreg.gather [hbm4b:s7+s2], $0x80, v29, vm1, $0xb8;
	[tilespmem:$0x1C800] =	vst v63  }
0x98: {  	v21 =	vperm.xlane v21, v19;
	v33 =	vadd.s32 v6, v32;
	s21 =	simm.s32 $0x19600  }
0x99: {  	[tilespmem:s21], [sflag:$0x3] =	stream.indirect_vreg.gather [hbm4b:s7+s2], $0x80, v22, vm1, $0xb8;
	[tilespmem:$0x1C800] =	vst v63  }
0x9a: {  	v21 =	vadd.s32 v6, v21;
	s22 =	simm.s32 $0x19680  }
0x9b: {  	[tilespmem:s22], [sflag:$0x3] =	stream.indirect_vreg.gather [hbm4b:s7+s2], $0x80, v23, vm1, $0xb8;
	[tilespmem:$0x1C800] =	vst v63  }
0x9c: {  	s23 =	simm.s32 $0x19700  }
0x9d: {  	[tilespmem:s23], [sflag:$0x3] =	stream.indirect_vreg.gather [hbm4b:s7+s2], $0x80, v33, vm1, $0xb8;
	[tilespmem:$0x1C800] =	vst v63  }
0x9e: {  	s24 =	simm.s32 $0x19780  }
0x9f: {  	[tilespmem:s24], [sflag:$0x3] =	stream.indirect_vreg.gather [hbm4b:s7+s2], $0x80, v21, vm1, $0xb8;
	[tilespmem:$0x1C800] =	vst v63  }
0xa0: {  	v21 =	vld [tilespmem:$0x20];
	_ =	sdelay $0x4  }
0xa1: {  	v22 =	vshrl.u32 v21, $0x3  }
0xa2: {  	v22 =	vmul.u32 $0x18, v22  }
0xa3: {  	v21 =	vand.u32 $0x7, v21  }
0xa4: {  	v21 =	vor.u32 v21, v22  }
0xa5: {  	v22 =	vperm.xlane v21, v5;
	_ =	sdelay $0x1  }
0xa6: {  	v23 =	vperm.xlane v21, v7;
	v22 =	vadd.s32 v6, v22;
	_ =	sdelay $0x1  }
0xa7: {  	v34 =	vperm.xlane v21, v8;
	v23 =	vadd.s32 v6, v23;
	_ =	sdelay $0x1  }
0xa8: {  	s25 =	simm.s32 $0x19800;
	v35 =	vperm.xlane v21, v3;
	v24 =	vadd.s32 v6, v34  }
0xa9: {  	[tilespmem:s25], [sflag:$0x3] =	stream.indirect_vreg.gather [hbm4b:s7+s2], $0x80, v22, vm1, $0xb8;
	[tilespmem:$0x1C800] =	vst v63  }
0xaa: {  	s26 =	simm.s32 $0x19880;
	v36 =	vperm.xlane v21, v9;
	v22 =	vadd.s32 v6, v35  }
0xab: {  	[tilespmem:s26], [sflag:$0x3] =	stream.indirect_vreg.gather [hbm4b:s7+s2], $0x80, v23, vm1, $0xb8;
	[tilespmem:$0x1C800] =	vst v63  }
0xac: {  	s28 =	simm.s32 $0x19900;
	v37 =	vperm.xlane v21, v10;
	v23 =	vadd.s32 v6, v36  }
0xad: {  	[tilespmem:s28], [sflag:$0x3] =	stream.indirect_vreg.gather [hbm4b:s7+s2], $0x80, v24, vm1, $0xb8;
	[tilespmem:$0x1C800] =	vst v63  }
0xae: {  	s21 =	simm.s32 $0x19980;
	v39 =	vperm.xlane v21, v11;
	v38 =	vadd.s32 v6, v37  }
0xaf: {  	[tilespmem:s21], [sflag:$0x3] =	stream.indirect_vreg.gather [hbm4b:s7+s2], $0x80, v22, vm1, $0xb8;
	[tilespmem:$0x1C800] =	vst v63  }
0xb0: {  	s22 =	simm.s32 $0x19A00;
	v40 =	vperm.xlane v21, v1;
	v22 =	vadd.s32 v6, v39  }
0xb1: {  	[tilespmem:s22], [sflag:$0x3] =	stream.indirect_vreg.gather [hbm4b:s7+s2], $0x80, v23, vm1, $0xb8;
	[tilespmem:$0x1C800] =	vst v63  }
0xb2: {  	s23 =	simm.s32 $0x19A80;
	v41 =	vperm.xlane v21, v12;
	v23 =	vadd.s32 v6, v40  }
0xb3: {  	[tilespmem:s23], [sflag:$0x3] =	stream.indirect_vreg.gather [hbm4b:s7+s2], $0x80, v38, vm1, $0xb8;
	[tilespmem:$0x1C800] =	vst v63  }
0xb4: {  	s24 =	simm.s32 $0x19B00;
	v43 =	vperm.xlane v21, v13;
	v42 =	vadd.s32 v6, v41  }
0xb5: {  	[tilespmem:s24], [sflag:$0x3] =	stream.indirect_vreg.gather [hbm4b:s7+s2], $0x80, v22, vm1, $0xb8;
	[tilespmem:$0x1C800] =	vst v63  }
0xb6: {  	v44 =	vperm.xlane v21, v14;
	s25 =	simm.s32 $0x19B80;
	v22 =	vadd.s32 v6, v43  }
0xb7: {  	[tilespmem:s25], [sflag:$0x3] =	stream.indirect_vreg.gather [hbm4b:s7+s2], $0x80, v23, vm1, $0xb8;
	[tilespmem:$0x1C800] =	vst v63  }
0xb8: {  	v45 =	vperm.xlane v21, v15;
	s26 =	simm.s32 $0x19C00;
	v23 =	vadd.s32 v6, v44  }
0xb9: {  	[tilespmem:s26], [sflag:$0x3] =	stream.indirect_vreg.gather [hbm4b:s7+s2], $0x80, v42, vm1, $0xb8;
	[tilespmem:$0x1C800] =	vst v63  }
0xba: {  	v47 =	vperm.xlane v21, v16;
	v46 =	vadd.s32 v6, v45;
	s28 =	simm.s32 $0x19C80  }
0xbb: {  	[tilespmem:s28], [sflag:$0x3] =	stream.indirect_vreg.gather [hbm4b:s7+s2], $0x80, v22, vm1, $0xb8;
	[tilespmem:$0x1C800] =	vst v63  }
0xbc: {  	v48 =	vperm.xlane v21, v17;
	s21 =	simm.s32 $0x19D00;
	v22 =	vadd.s32 v6, v47  }
0xbd: {  	[tilespmem:s21], [sflag:$0x3] =	stream.indirect_vreg.gather [hbm4b:s7+s2], $0x80, v23, vm1, $0xb8;
	[tilespmem:$0x1C800] =	vst v63  }
0xbe: {  	v49 =	vperm.xlane v21, v18;
	s22 =	simm.s32 $0x19D80;
	v23 =	vadd.s32 v6, v48  }
0xbf: {  	[tilespmem:s22], [sflag:$0x3] =	stream.indirect_vreg.gather [hbm4b:s7+s2], $0x80, v46, vm1, $0xb8;
	[tilespmem:$0x1C800] =	vst v63  }
0xc0: {  	v21 =	vperm.xlane v21, v19;
	v50 =	vadd.s32 v6, v49;
	s23 =	simm.s32 $0x19E00  }
0xc1: {  	[tilespmem:s23], [sflag:$0x3] =	stream.indirect_vreg.gather [hbm4b:s7+s2], $0x80, v22, vm1, $0xb8;
	[tilespmem:$0x1C800] =	vst v63  }
0xc2: {  	v21 =	vadd.s32 v6, v21;
	s24 =	simm.s32 $0x19E80  }
0xc3: {  	[tilespmem:s24], [sflag:$0x3] =	stream.indirect_vreg.gather [hbm4b:s7+s2], $0x80, v23, vm1, $0xb8;
	[tilespmem:$0x1C800] =	vst v63  }
0xc4: {  	s25 =	simm.s32 $0x19F00  }
0xc5: {  	[tilespmem:s25], [sflag:$0x3] =	stream.indirect_vreg.gather [hbm4b:s7+s2], $0x80, v50, vm1, $0xb8;
	[tilespmem:$0x1C800] =	vst v63  }
0xc6: {  	s26 =	simm.s32 $0x19F80  }
0xc7: {  	[tilespmem:s26], [sflag:$0x3] =	stream.indirect_vreg.gather [hbm4b:s7+s2], $0x80, v21, vm1, $0xb8;
	[tilespmem:$0x1C800] =	vst v63  }
0xc8: {  	v21 =	vld [tilespmem:$0x30];
	_ =	sdelay $0x4  }
0xc9: {  	v22 =	vshrl.u32 v21, $0x3  }
0xca: {  	v22 =	vmul.u32 $0x18, v22  }
0xcb: {  	v21 =	vand.u32 $0x7, v21  }
0xcc: {  	v21 =	vor.u32 v21, v22  }
0xcd: {  	v22 =	vperm.xlane v21, v5;
	_ =	sdelay $0x1  }
0xce: {  	v23 =	vperm.xlane v21, v7;
	v22 =	vadd.s32 v6, v22;
	_ =	sdelay $0x1  }
0xcf: {  	v51 =	vperm.xlane v21, v8;
	v23 =	vadd.s32 v6, v23;
	_ =	sdelay $0x1  }
0xd0: {  	s28 =	simm.s32 $0x1A000;
	v52 =	vperm.xlane v21, v3;
	v24 =	vadd.s32 v6, v51  }
0xd1: {  	[tilespmem:s28], [sflag:$0x3] =	stream.indirect_vreg.gather [hbm4b:s7+s2], $0x80, v22, vm1, $0xb8;
	[tilespmem:$0x1C800] =	vst v63  }
0xd2: {  	s21 =	simm.s32 $0x1A080;
	v53 =	vperm.xlane v21, v9;
	v22 =	vadd.s32 v6, v52  }
0xd3: {  	[tilespmem:s21], [sflag:$0x3] =	stream.indirect_vreg.gather [hbm4b:s7+s2], $0x80, v23, vm1, $0xb8;
	[tilespmem:$0x1C800] =	vst v63  }
0xd4: {  	s22 =	simm.s32 $0x1A100;
	v54 =	vperm.xlane v21, v10;
	v23 =	vadd.s32 v6, v53  }
0xd5: {  	[tilespmem:s22], [sflag:$0x3] =	stream.indirect_vreg.gather [hbm4b:s7+s2], $0x80, v24, vm1, $0xb8;
	[tilespmem:$0x1C800] =	vst v63  }
0xd6: {  	s23 =	simm.s32 $0x1A180;
	v56 =	vperm.xlane v21, v11;
	v55 =	vadd.s32 v6, v54  }
0xd7: {  	[tilespmem:s23], [sflag:$0x3] =	stream.indirect_vreg.gather [hbm4b:s7+s2], $0x80, v22, vm1, $0xb8;
	[tilespmem:$0x1C800] =	vst v63  }
0xd8: {  	s24 =	simm.s32 $0x1A200;
	v57 =	vperm.xlane v21, v1;
	v22 =	vadd.s32 v6, v56  }
0xd9: {  	[tilespmem:s24], [sflag:$0x3] =	stream.indirect_vreg.gather [hbm4b:s7+s2], $0x80, v23, vm1, $0xb8;
	[tilespmem:$0x1C800] =	vst v63  }
0xda: {  	s25 =	simm.s32 $0x1A280;
	v58 =	vperm.xlane v21, v12;
	v23 =	vadd.s32 v6, v57  }
0xdb: {  	[tilespmem:s25], [sflag:$0x3] =	stream.indirect_vreg.gather [hbm4b:s7+s2], $0x80, v55, vm1, $0xb8;
	[tilespmem:$0x1C800] =	vst v63  }
0xdc: {  	s26 =	simm.s32 $0x1A300;
	v60 =	vperm.xlane v21, v13;
	v59 =	vadd.s32 v6, v58  }
0xdd: {  	[tilespmem:s26], [sflag:$0x3] =	stream.indirect_vreg.gather [hbm4b:s7+s2], $0x80, v22, vm1, $0xb8;
	[tilespmem:$0x1C800] =	vst v63  }
0xde: {  	v61 =	vperm.xlane v21, v14;
	s28 =	simm.s32 $0x1A380;
	v22 =	vadd.s32 v6, v60  }
0xdf: {  	[tilespmem:s28], [sflag:$0x3] =	stream.indirect_vreg.gather [hbm4b:s7+s2], $0x80, v23, vm1, $0xb8;
	[tilespmem:$0x1C800] =	vst v63  }
0xe0: {  	v62 =	vperm.xlane v21, v15;
	s21 =	simm.s32 $0x1A400;
	v23 =	vadd.s32 v6, v61  }
0xe1: {  	[tilespmem:s21], [sflag:$0x3] =	stream.indirect_vreg.gather [hbm4b:s7+s2], $0x80, v59, vm1, $0xb8;
	[tilespmem:$0x1C800] =	vst v63  }
0xe2: {  	v28 =	vperm.xlane v21, v16;
	v63 =	vadd.s32 v6, v62;
	s22 =	simm.s32 $0x1A480  }
0xe3: {  	[tilespmem:s22], [sflag:$0x3] =	stream.indirect_vreg.gather [hbm4b:s7+s2], $0x80, v22, vm1, $0xb8;
	[tilespmem:$0x1C800] =	vst v63  }
0xe4: {  	v29 =	vperm.xlane v21, v17;
	s23 =	simm.s32 $0x1A500;
	v22 =	vadd.s32 v6, v28  }
0xe5: {  	[tilespmem:s23], [sflag:$0x3] =	stream.indirect_vreg.gather [hbm4b:s7+s2], $0x80, v23, vm1, $0xb8;
	[tilespmem:$0x1C800] =	vst v63  }
0xe6: {  	v30 =	vperm.xlane v21, v18;
	s24 =	simm.s32 $0x1A580;
	v23 =	vadd.s32 v6, v29  }
0xe7: {  	[tilespmem:s24], [sflag:$0x3] =	stream.indirect_vreg.gather [hbm4b:s7+s2], $0x80, v63, vm1, $0xb8;
	[tilespmem:$0x1C800] =	vst v63  }
0xe8: {  	v21 =	vperm.xlane v21, v19;
	v31 =	vadd.s32 v6, v30;
	s25 =	simm.s32 $0x1A600  }
0xe9: {  	[tilespmem:s25], [sflag:$0x3] =	stream.indirect_vreg.gather [hbm4b:s7+s2], $0x80, v22, vm1, $0xb8;
	[tilespmem:$0x1C800] =	vst v63  }
0xea: {  	v21 =	vadd.s32 v6, v21;
	s26 =	simm.s32 $0x1A680  }
0xeb: {  	[tilespmem:s26], [sflag:$0x3] =	stream.indirect_vreg.gather [hbm4b:s7+s2], $0x80, v23, vm1, $0xb8;
	[tilespmem:$0x1C800] =	vst v63  }
0xec: {  	s28 =	simm.s32 $0x1A700  }
0xed: {  	[tilespmem:s28], [sflag:$0x3] =	stream.indirect_vreg.gather [hbm4b:s7+s2], $0x80, v31, vm1, $0xb8;
	[tilespmem:$0x1C800] =	vst v63  }
0xee: {  	s21 =	simm.s32 $0x1A780  }
0xef: {  	[tilespmem:s21], [sflag:$0x3] =	stream.indirect_vreg.gather [hbm4b:s7+s2], $0x80, v21, vm1, $0xb8;
	[tilespmem:$0x1C800] =	vst v63  }
0xf0: {  	v21 =	vld [tilespmem:$0x80];
	_ =	sdelay $0x4  }
0xf1: {  	v22 =	vshrl.u32 v21, $0x3  }
0xf2: {  	v22 =	vmul.u32 $0x18, v22  }
0xf3: {  	v21 =	vand.u32 $0x7, v21  }
0xf4: {  	v21 =	vor.u32 v21, v22  }
0xf5: {  	v22 =	vperm.xlane v21, v0;
	_ =	sdelay $0x1  }
0xf6: {  	v21 =	vperm.xlane v21, v4;
	v22 =	vadd.s32 v2, v22;
	_ =	sdelay $0x1  }
0xf7: {  	v21 =	vadd.s32 v2, v21;
	_ =	sdelay $0x2  }
0xf8: {  	[tilespmem:s10], [sflag:$0x2] =	stream.indirect_vreg.gather [hbm4b:s4+s2], $0x80, v22, vm0, $0xb8;
	[tilespmem:$0x1C800] =	vst v63  }
0xf9: {  	s22 =	simm.s32 $0x13400  }
0xfa: {  	[tilespmem:s22], [sflag:$0x2] =	stream.indirect_vreg.gather [hbm4b:s4+s2], $0x80, v21, vm0, $0xb8;
	[tilespmem:$0x1C800] =	vst v63  }
0xfb: {  	v21 =	vld [tilespmem:$0x90];
	_ =	sdelay $0x4  }
0xfc: {  	v22 =	vshrl.u32 v21, $0x3  }
0xfd: {  	v22 =	vmul.u32 $0x18, v22  }
0xfe: {  	v21 =	vand.u32 $0x7, v21  }
0xff: {  	v21 =	vor.u32 v21, v22  }
0x100: {  	v22 =	vperm.xlane v21, v0;
	_ =	sdelay $0x1  }
0x101: {  	v21 =	vperm.xlane v21, v4;
	v22 =	vadd.s32 v2, v22;
	_ =	sdelay $0x1  }
0x102: {  	v21 =	vadd.s32 v2, v21;
	_ =	sdelay $0x1  }
0x103: {  	s23 =	simm.s32 $0x14000  }
0x104: {  	[tilespmem:s23], [sflag:$0x2] =	stream.indirect_vreg.gather [hbm4b:s4+s2], $0x80, v22, vm0, $0xb8;
	[tilespmem:$0x1C800] =	vst v63  }
0x105: {  	s24 =	simm.s32 $0x14C00  }
0x106: {  	[tilespmem:s24], [sflag:$0x2] =	stream.indirect_vreg.gather [hbm4b:s4+s2], $0x80, v21, vm0, $0xb8;
	[tilespmem:$0x1C800] =	vst v63  }
0x107: {  	v21 =	vld [tilespmem:$0xA0];
	_ =	sdelay $0x4  }
0x108: {  	v22 =	vshrl.u32 v21, $0x3  }
0x109: {  	v22 =	vmul.u32 $0x18, v22  }
0x10a: {  	v21 =	vand.u32 $0x7, v21  }
0x10b: {  	v21 =	vor.u32 v21, v22  }
0x10c: {  	v22 =	vperm.xlane v21, v0;
	_ =	sdelay $0x1  }
0x10d: {  	v21 =	vperm.xlane v21, v4;
	v22 =	vadd.s32 v2, v22;
	_ =	sdelay $0x1  }
0x10e: {  	v21 =	vadd.s32 v2, v21;
	_ =	sdelay $0x1  }
0x10f: {  	s25 =	simm.s32 $0x15800  }
0x110: {  	[tilespmem:s25], [sflag:$0x2] =	stream.indirect_vreg.gather [hbm4b:s4+s2], $0x80, v22, vm0, $0xb8;
	[tilespmem:$0x1C800] =	vst v63  }
0x111: {  	s26 =	simm.s32 $0x16400  }
0x112: {  	[tilespmem:s26], [sflag:$0x2] =	stream.indirect_vreg.gather [hbm4b:s4+s2], $0x80, v21, vm0, $0xb8;
	[tilespmem:$0x1C800] =	vst v63  }
0x113: {  	v21 =	vld [tilespmem:$0xB0];
	_ =	sdelay $0x4  }
0x114: {  	v22 =	vshrl.u32 v21, $0x3  }
0x115: {  	v22 =	vmul.u32 $0x18, v22  }
0x116: {  	v21 =	vand.u32 $0x7, v21  }
0x117: {  	v21 =	vor.u32 v21, v22  }
0x118: {  	v22 =	vperm.xlane v21, v0;
	_ =	sdelay $0x1  }
0x119: {  	v21 =	vperm.xlane v21, v4;
	v22 =	vadd.s32 v2, v22;
	_ =	sdelay $0x1  }
0x11a: {  	v21 =	vadd.s32 v2, v21;
	_ =	sdelay $0x1  }
0x11b: {  	s28 =	simm.s32 $0x17000  }
0x11c: {  	[tilespmem:s28], [sflag:$0x2] =	stream.indirect_vreg.gather [hbm4b:s4+s2], $0x80, v22, vm0, $0xb8;
	[tilespmem:$0x1C800] =	vst v63  }
0x11d: {  	s21 =	simm.s32 $0x17C00  }
0x11e: {  	[tilespmem:s21], [sflag:$0x2] =	stream.indirect_vreg.gather [hbm4b:s4+s2], $0x80, v21, vm0, $0xb8;
	[tilespmem:$0x1C800] =	vst v63  }
0x11f: {  	v21 =	vld [tilespmem:$0x80];
	_ =	sdelay $0x4  }
0x120: {  	v22 =	vshrl.u32 v21, $0x3  }
0x121: {  	v22 =	vmul.u32 $0x18, v22  }
0x122: {  	v21 =	vand.u32 $0x7, v21  }
0x123: {  	v21 =	vor.u32 v21, v22  }
0x124: {  	v22 =	vperm.xlane v21, v5;
	_ =	sdelay $0x1  }
0x125: {  	v23 =	vperm.xlane v21, v7;
	v22 =	vadd.s32 v6, v22;
	_ =	sdelay $0x1  }
0x126: {  	v32 =	vperm.xlane v21, v8;
	v23 =	vadd.s32 v6, v23;
	_ =	sdelay $0x1  }
0x127: {  	s22 =	simm.s32 $0x1A800;
	v33 =	vperm.xlane v21, v3;
	v24 =	vadd.s32 v6, v32  }
0x128: {  	[tilespmem:s22], [sflag:$0x4] =	stream.indirect_vreg.gather [hbm4b:s7+s2], $0x80, v22, vm1, $0xb8;
	[tilespmem:$0x1C800] =	vst v63  }
0x129: {  	s23 =	simm.s32 $0x1A880;
	v34 =	vperm.xlane v21, v9;
	v22 =	vadd.s32 v6, v33  }
0x12a: {  	[tilespmem:s23], [sflag:$0x4] =	stream.indirect_vreg.gather [hbm4b:s7+s2], $0x80, v23, vm1, $0xb8;
	[tilespmem:$0x1C800] =	vst v63  }
0x12b: {  	s24 =	simm.s32 $0x1A900;
	v35 =	vperm.xlane v21, v10;
	v23 =	vadd.s32 v6, v34  }
0x12c: {  	[tilespmem:s24], [sflag:$0x4] =	stream.indirect_vreg.gather [hbm4b:s7+s2], $0x80, v24, vm1, $0xb8;
	[tilespmem:$0x1C800] =	vst v63  }
0x12d: {  	s25 =	simm.s32 $0x1A980;
	v37 =	vperm.xlane v21, v11;
	v36 =	vadd.s32 v6, v35  }
0x12e: {  	[tilespmem:s25], [sflag:$0x4] =	stream.indirect_vreg.gather [hbm4b:s7+s2], $0x80, v22, vm1, $0xb8;
	[tilespmem:$0x1C800] =	vst v63  }
0x12f: {  	s26 =	simm.s32 $0x1AA00;
	v38 =	vperm.xlane v21, v1;
	v22 =	vadd.s32 v6, v37  }
0x130: {  	[tilespmem:s26], [sflag:$0x4] =	stream.indirect_vreg.gather [hbm4b:s7+s2], $0x80, v23, vm1, $0xb8;
	[tilespmem:$0x1C800] =	vst v63  }
0x131: {  	s28 =	simm.s32 $0x1AA80;
	v39 =	vperm.xlane v21, v12;
	v23 =	vadd.s32 v6, v38  }
0x132: {  	[tilespmem:s28], [sflag:$0x4] =	stream.indirect_vreg.gather [hbm4b:s7+s2], $0x80, v36, vm1, $0xb8;
	[tilespmem:$0x1C800] =	vst v63  }
0x133: {  	s21 =	simm.s32 $0x1AB00;
	v41 =	vperm.xlane v21, v13;
	v40 =	vadd.s32 v6, v39  }
0x134: {  	[tilespmem:s21], [sflag:$0x4] =	stream.indirect_vreg.gather [hbm4b:s7+s2], $0x80, v22, vm1, $0xb8;
	[tilespmem:$0x1C800] =	vst v63  }
0x135: {  	v42 =	vperm.xlane v21, v14;
	s22 =	simm.s32 $0x1AB80;
	v22 =	vadd.s32 v6, v41  }
0x136: {  	[tilespmem:s22], [sflag:$0x4] =	stream.indirect_vreg.gather [hbm4b:s7+s2], $0x80, v23, vm1, $0xb8;
	[tilespmem:$0x1C800] =	vst v63  }
0x137: {  	v43 =	vperm.xlane v21, v15;
	s23 =	simm.s32 $0x1AC00;
	v23 =	vadd.s32 v6, v42  }
0x138: {  	[tilespmem:s23], [sflag:$0x4] =	stream.indirect_vreg.gather [hbm4b:s7+s2], $0x80, v40, vm1, $0xb8;
	[tilespmem:$0x1C800] =	vst v63  }
0x139: {  	v45 =	vperm.xlane v21, v16;
	v44 =	vadd.s32 v6, v43;
	s24 =	simm.s32 $0x1AC80  }
0x13a: {  	[tilespmem:s24], [sflag:$0x4] =	stream.indirect_vreg.gather [hbm4b:s7+s2], $0x80, v22, vm1, $0xb8;
	[tilespmem:$0x1C800] =	vst v63  }
0x13b: {  	v46 =	vperm.xlane v21, v17;
	s25 =	simm.s32 $0x1AD00;
	v22 =	vadd.s32 v6, v45  }
0x13c: {  	[tilespmem:s25], [sflag:$0x4] =	stream.indirect_vreg.gather [hbm4b:s7+s2], $0x80, v23, vm1, $0xb8;
	[tilespmem:$0x1C800] =	vst v63  }
0x13d: {  	v47 =	vperm.xlane v21, v18;
	s26 =	simm.s32 $0x1AD80;
	v23 =	vadd.s32 v6, v46  }
0x13e: {  	[tilespmem:s26], [sflag:$0x4] =	stream.indirect_vreg.gather [hbm4b:s7+s2], $0x80, v44, vm1, $0xb8;
	[tilespmem:$0x1C800] =	vst v63  }
0x13f: {  	v21 =	vperm.xlane v21, v19;
	v48 =	vadd.s32 v6, v47;
	s28 =	simm.s32 $0x1AE00  }
0x140: {  	[tilespmem:s28], [sflag:$0x4] =	stream.indirect_vreg.gather [hbm4b:s7+s2], $0x80, v22, vm1, $0xb8;
	[tilespmem:$0x1C800] =	vst v63  }
0x141: {  	v21 =	vadd.s32 v6, v21;
	s21 =	simm.s32 $0x1AE80  }
0x142: {  	[tilespmem:s21], [sflag:$0x4] =	stream.indirect_vreg.gather [hbm4b:s7+s2], $0x80, v23, vm1, $0xb8;
	[tilespmem:$0x1C800] =	vst v63  }
0x143: {  	s22 =	simm.s32 $0x1AF00  }
0x144: {  	[tilespmem:s22], [sflag:$0x4] =	stream.indirect_vreg.gather [hbm4b:s7+s2], $0x80, v48, vm1, $0xb8;
	[tilespmem:$0x1C800] =	vst v63  }
0x145: {  	s23 =	simm.s32 $0x1AF80  }
0x146: {  	[tilespmem:s23], [sflag:$0x4] =	stream.indirect_vreg.gather [hbm4b:s7+s2], $0x80, v21, vm1, $0xb8;
	[tilespmem:$0x1C800] =	vst v63  }
0x147: {  	v21 =	vld [tilespmem:$0x90];
	_ =	sdelay $0x4  }
0x148: {  	v22 =	vshrl.u32 v21, $0x3  }
0x149: {  	v22 =	vmul.u32 $0x18, v22  }
0x14a: {  	v21 =	vand.u32 $0x7, v21  }
0x14b: {  	v21 =	vor.u32 v21, v22  }
0x14c: {  	v22 =	vperm.xlane v21, v5;
	_ =	sdelay $0x1  }
0x14d: {  	v23 =	vperm.xlane v21, v7;
	v22 =	vadd.s32 v6, v22;
	_ =	sdelay $0x1  }
0x14e: {  	v49 =	vperm.xlane v21, v8;
	v23 =	vadd.s32 v6, v23;
	_ =	sdelay $0x1  }
0x14f: {  	s24 =	simm.s32 $0x1B000;
	v50 =	vperm.xlane v21, v3;
	v24 =	vadd.s32 v6, v49  }
0x150: {  	[tilespmem:s24], [sflag:$0x4] =	stream.indirect_vreg.gather [hbm4b:s7+s2], $0x80, v22, vm1, $0xb8;
	[tilespmem:$0x1C800] =	vst v63  }
0x151: {  	s25 =	simm.s32 $0x1B080;
	v51 =	vperm.xlane v21, v9;
	v22 =	vadd.s32 v6, v50  }
0x152: {  	[tilespmem:s25], [sflag:$0x4] =	stream.indirect_vreg.gather [hbm4b:s7+s2], $0x80, v23, vm1, $0xb8;
	[tilespmem:$0x1C800] =	vst v63  }
0x153: {  	s26 =	simm.s32 $0x1B100;
	v52 =	vperm.xlane v21, v10;
	v23 =	vadd.s32 v6, v51  }
0x154: {  	[tilespmem:s26], [sflag:$0x4] =	stream.indirect_vreg.gather [hbm4b:s7+s2], $0x80, v24, vm1, $0xb8;
	[tilespmem:$0x1C800] =	vst v63  }
0x155: {  	s28 =	simm.s32 $0x1B180;
	v54 =	vperm.xlane v21, v11;
	v53 =	vadd.s32 v6, v52  }
0x156: {  	[tilespmem:s28], [sflag:$0x4] =	stream.indirect_vreg.gather [hbm4b:s7+s2], $0x80, v22, vm1, $0xb8;
	[tilespmem:$0x1C800] =	vst v63  }
0x157: {  	s21 =	simm.s32 $0x1B200;
	v55 =	vperm.xlane v21, v1;
	v22 =	vadd.s32 v6, v54  }
0x158: {  	[tilespmem:s21], [sflag:$0x4] =	stream.indirect_vreg.gather [hbm4b:s7+s2], $0x80, v23, vm1, $0xb8;
	[tilespmem:$0x1C800] =	vst v63  }
0x159: {  	s22 =	simm.s32 $0x1B280;
	v56 =	vperm.xlane v21, v12;
	v23 =	vadd.s32 v6, v55  }
0x15a: {  	[tilespmem:s22], [sflag:$0x4] =	stream.indirect_vreg.gather [hbm4b:s7+s2], $0x80, v53, vm1, $0xb8;
	[tilespmem:$0x1C800] =	vst v63  }
0x15b: {  	s23 =	simm.s32 $0x1B300;
	v58 =	vperm.xlane v21, v13;
	v57 =	vadd.s32 v6, v56  }
0x15c: {  	[tilespmem:s23], [sflag:$0x4] =	stream.indirect_vreg.gather [hbm4b:s7+s2], $0x80, v22, vm1, $0xb8;
	[tilespmem:$0x1C800] =	vst v63  }
0x15d: {  	v59 =	vperm.xlane v21, v14;
	s24 =	simm.s32 $0x1B380;
	v22 =	vadd.s32 v6, v58  }
0x15e: {  	[tilespmem:s24], [sflag:$0x4] =	stream.indirect_vreg.gather [hbm4b:s7+s2], $0x80, v23, vm1, $0xb8;
	[tilespmem:$0x1C800] =	vst v63  }
0x15f: {  	v60 =	vperm.xlane v21, v15;
	s25 =	simm.s32 $0x1B400;
	v23 =	vadd.s32 v6, v59  }
0x160: {  	[tilespmem:s25], [sflag:$0x4] =	stream.indirect_vreg.gather [hbm4b:s7+s2], $0x80, v57, vm1, $0xb8;
	[tilespmem:$0x1C800] =	vst v63  }
0x161: {  	v62 =	vperm.xlane v21, v16;
	v61 =	vadd.s32 v6, v60;
	s26 =	simm.s32 $0x1B480  }
0x162: {  	[tilespmem:s26], [sflag:$0x4] =	stream.indirect_vreg.gather [hbm4b:s7+s2], $0x80, v22, vm1, $0xb8;
	[tilespmem:$0x1C800] =	vst v63  }
0x163: {  	v63 =	vperm.xlane v21, v17;
	s28 =	simm.s32 $0x1B500;
	v22 =	vadd.s32 v6, v62  }
0x164: {  	[tilespmem:s28], [sflag:$0x4] =	stream.indirect_vreg.gather [hbm4b:s7+s2], $0x80, v23, vm1, $0xb8;
	[tilespmem:$0x1C800] =	vst v63  }
0x165: {  	v28 =	vperm.xlane v21, v18;
	s21 =	simm.s32 $0x1B580;
	v23 =	vadd.s32 v6, v63  }
0x166: {  	[tilespmem:s21], [sflag:$0x4] =	stream.indirect_vreg.gather [hbm4b:s7+s2], $0x80, v61, vm1, $0xb8;
	[tilespmem:$0x1C800] =	vst v63  }
0x167: {  	v21 =	vperm.xlane v21, v19;
	v29 =	vadd.s32 v6, v28;
	s22 =	simm.s32 $0x1B600  }
0x168: {  	[tilespmem:s22], [sflag:$0x4] =	stream.indirect_vreg.gather [hbm4b:s7+s2], $0x80, v22, vm1, $0xb8;
	[tilespmem:$0x1C800] =	vst v63  }
0x169: {  	v21 =	vadd.s32 v6, v21;
	s23 =	simm.s32 $0x1B680  }
0x16a: {  	[tilespmem:s23], [sflag:$0x4] =	stream.indirect_vreg.gather [hbm4b:s7+s2], $0x80, v23, vm1, $0xb8;
	[tilespmem:$0x1C800] =	vst v63  }
0x16b: {  	s24 =	simm.s32 $0x1B700  }
0x16c: {  	[tilespmem:s24], [sflag:$0x4] =	stream.indirect_vreg.gather [hbm4b:s7+s2], $0x80, v29, vm1, $0xb8;
	[tilespmem:$0x1C800] =	vst v63  }
0x16d: {  	s25 =	simm.s32 $0x1B780  }
0x16e: {  	[tilespmem:s25], [sflag:$0x4] =	stream.indirect_vreg.gather [hbm4b:s7+s2], $0x80, v21, vm1, $0xb8;
	[tilespmem:$0x1C800] =	vst v63  }
0x16f: {  	v21 =	vld [tilespmem:$0xA0];
	_ =	sdelay $0x4  }
0x170: {  	v22 =	vshrl.u32 v21, $0x3  }
0x171: {  	v22 =	vmul.u32 $0x18, v22  }
0x172: {  	v21 =	vand.u32 $0x7, v21  }
0x173: {  	v21 =	vor.u32 v21, v22  }
0x174: {  	v22 =	vperm.xlane v21, v5;
	_ =	sdelay $0x1  }
0x175: {  	v23 =	vperm.xlane v21, v7;
	v22 =	vadd.s32 v6, v22;
	_ =	sdelay $0x1  }
0x176: {  	v30 =	vperm.xlane v21, v8;
	v23 =	vadd.s32 v6, v23;
	_ =	sdelay $0x1  }
0x177: {  	s26 =	simm.s32 $0x1B800;
	v31 =	vperm.xlane v21, v3;
	v24 =	vadd.s32 v6, v30  }
0x178: {  	[tilespmem:s26], [sflag:$0x4] =	stream.indirect_vreg.gather [hbm4b:s7+s2], $0x80, v22, vm1, $0xb8;
	[tilespmem:$0x1C800] =	vst v63  }
0x179: {  	s28 =	simm.s32 $0x1B880;
	v32 =	vperm.xlane v21, v9;
	v22 =	vadd.s32 v6, v31  }
0x17a: {  	[tilespmem:s28], [sflag:$0x4] =	stream.indirect_vreg.gather [hbm4b:s7+s2], $0x80, v23, vm1, $0xb8;
	[tilespmem:$0x1C800] =	vst v63  }
0x17b: {  	s21 =	simm.s32 $0x1B900;
	v33 =	vperm.xlane v21, v10;
	v23 =	vadd.s32 v6, v32  }
0x17c: {  	[tilespmem:s21], [sflag:$0x4] =	stream.indirect_vreg.gather [hbm4b:s7+s2], $0x80, v24, vm1, $0xb8;
	[tilespmem:$0x1C800] =	vst v63  }
0x17d: {  	s22 =	simm.s32 $0x1B980;
	v35 =	vperm.xlane v21, v11;
	v34 =	vadd.s32 v6, v33  }
0x17e: {  	[tilespmem:s22], [sflag:$0x4] =	stream.indirect_vreg.gather [hbm4b:s7+s2], $0x80, v22, vm1, $0xb8;
	[tilespmem:$0x1C800] =	vst v63  }
0x17f: {  	s23 =	simm.s32 $0x1BA00;
	v36 =	vperm.xlane v21, v1;
	v22 =	vadd.s32 v6, v35  }
0x180: {  	[tilespmem:s23], [sflag:$0x4] =	stream.indirect_vreg.gather [hbm4b:s7+s2], $0x80, v23, vm1, $0xb8;
	[tilespmem:$0x1C800] =	vst v63  }
0x181: {  	s24 =	simm.s32 $0x1BA80;
	v37 =	vperm.xlane v21, v12;
	v23 =	vadd.s32 v6, v36  }
0x182: {  	[tilespmem:s24], [sflag:$0x4] =	stream.indirect_vreg.gather [hbm4b:s7+s2], $0x80, v34, vm1, $0xb8;
	[tilespmem:$0x1C800] =	vst v63  }
0x183: {  	s25 =	simm.s32 $0x1BB00;
	v39 =	vperm.xlane v21, v13;
	v38 =	vadd.s32 v6, v37  }
0x184: {  	[tilespmem:s25], [sflag:$0x4] =	stream.indirect_vreg.gather [hbm4b:s7+s2], $0x80, v22, vm1, $0xb8;
	[tilespmem:$0x1C800] =	vst v63  }
0x185: {  	v40 =	vperm.xlane v21, v14;
	s26 =	simm.s32 $0x1BB80;
	v22 =	vadd.s32 v6, v39  }
0x186: {  	[tilespmem:s26], [sflag:$0x4] =	stream.indirect_vreg.gather [hbm4b:s7+s2], $0x80, v23, vm1, $0xb8;
	[tilespmem:$0x1C800] =	vst v63  }
0x187: {  	v41 =	vperm.xlane v21, v15;
	s28 =	simm.s32 $0x1BC00;
	v23 =	vadd.s32 v6, v40  }
0x188: {  	[tilespmem:s28], [sflag:$0x4] =	stream.indirect_vreg.gather [hbm4b:s7+s2], $0x80, v38, vm1, $0xb8;
	[tilespmem:$0x1C800] =	vst v63  }
0x189: {  	v43 =	vperm.xlane v21, v16;
	v42 =	vadd.s32 v6, v41;
	s21 =	simm.s32 $0x1BC80  }
0x18a: {  	[tilespmem:s21], [sflag:$0x4] =	stream.indirect_vreg.gather [hbm4b:s7+s2], $0x80, v22, vm1, $0xb8;
	[tilespmem:$0x1C800] =	vst v63  }
0x18b: {  	v44 =	vperm.xlane v21, v17;
	s22 =	simm.s32 $0x1BD00;
	v22 =	vadd.s32 v6, v43  }
0x18c: {  	[tilespmem:s22], [sflag:$0x4] =	stream.indirect_vreg.gather [hbm4b:s7+s2], $0x80, v23, vm1, $0xb8;
	[tilespmem:$0x1C800] =	vst v63  }
0x18d: {  	v45 =	vperm.xlane v21, v18;
	s23 =	simm.s32 $0x1BD80;
	v23 =	vadd.s32 v6, v44  }
0x18e: {  	[tilespmem:s23], [sflag:$0x4] =	stream.indirect_vreg.gather [hbm4b:s7+s2], $0x80, v42, vm1, $0xb8;
	[tilespmem:$0x1C800] =	vst v63  }
0x18f: {  	v21 =	vperm.xlane v21, v19;
	v46 =	vadd.s32 v6, v45;
	s24 =	simm.s32 $0x1BE00  }
0x190: {  	[tilespmem:s24], [sflag:$0x4] =	stream.indirect_vreg.gather [hbm4b:s7+s2], $0x80, v22, vm1, $0xb8;
	[tilespmem:$0x1C800] =	vst v63  }
0x191: {  	v21 =	vadd.s32 v6, v21;
	s25 =	simm.s32 $0x1BE80  }
0x192: {  	[tilespmem:s25], [sflag:$0x4] =	stream.indirect_vreg.gather [hbm4b:s7+s2], $0x80, v23, vm1, $0xb8;
	[tilespmem:$0x1C800] =	vst v63  }
0x193: {  	s26 =	simm.s32 $0x1BF00  }
0x194: {  	[tilespmem:s26], [sflag:$0x4] =	stream.indirect_vreg.gather [hbm4b:s7+s2], $0x80, v46, vm1, $0xb8;
	[tilespmem:$0x1C800] =	vst v63  }
0x195: {  	s28 =	simm.s32 $0x1BF80  }
0x196: {  	[tilespmem:s28], [sflag:$0x4] =	stream.indirect_vreg.gather [hbm4b:s7+s2], $0x80, v21, vm1, $0xb8;
	[tilespmem:$0x1C800] =	vst v63  }
0x197: {  	v21 =	vld [tilespmem:$0xB0];
	_ =	sdelay $0x4  }
0x198: {  	v22 =	vshrl.u32 v21, $0x3  }
0x199: {  	v22 =	vmul.u32 $0x18, v22  }
0x19a: {  	v21 =	vand.u32 $0x7, v21  }
0x19b: {  	v21 =	vor.u32 v21, v22  }
0x19c: {  	v22 =	vperm.xlane v21, v5;
	_ =	sdelay $0x1  }
0x19d: {  	v23 =	vperm.xlane v21, v7;
	v22 =	vadd.s32 v6, v22;
	_ =	sdelay $0x1  }
0x19e: {  	v47 =	vperm.xlane v21, v8;
	v23 =	vadd.s32 v6, v23;
	_ =	sdelay $0x1  }
0x19f: {  	s21 =	simm.s32 $0x1C000;
	v48 =	vperm.xlane v21, v3;
	v24 =	vadd.s32 v6, v47  }
0x1a0: {  	[tilespmem:s21], [sflag:$0x4] =	stream.indirect_vreg.gather [hbm4b:s7+s2], $0x80, v22, vm1, $0xb8;
	[tilespmem:$0x1C800] =	vst v63  }
0x1a1: {  	s22 =	simm.s32 $0x1C080;
	v49 =	vperm.xlane v21, v9;
	v22 =	vadd.s32 v6, v48  }
0x1a2: {  	[tilespmem:s22], [sflag:$0x4] =	stream.indirect_vreg.gather [hbm4b:s7+s2], $0x80, v23, vm1, $0xb8;
	[tilespmem:$0x1C800] =	vst v63  }
0x1a3: {  	s23 =	simm.s32 $0x1C100;
	v50 =	vperm.xlane v21, v10;
	v23 =	vadd.s32 v6, v49  }
0x1a4: {  	[tilespmem:s23], [sflag:$0x4] =	stream.indirect_vreg.gather [hbm4b:s7+s2], $0x80, v24, vm1, $0xb8;
	[tilespmem:$0x1C800] =	vst v63  }
0x1a5: {  	s24 =	simm.s32 $0x1C180;
	v52 =	vperm.xlane v21, v11;
	v51 =	vadd.s32 v6, v50  }
0x1a6: {  	[tilespmem:s24], [sflag:$0x4] =	stream.indirect_vreg.gather [hbm4b:s7+s2], $0x80, v22, vm1, $0xb8;
	[tilespmem:$0x1C800] =	vst v63  }
0x1a7: {  	s25 =	simm.s32 $0x1C200;
	v53 =	vperm.xlane v21, v1;
	v22 =	vadd.s32 v6, v52  }
0x1a8: {  	[tilespmem:s25], [sflag:$0x4] =	stream.indirect_vreg.gather [hbm4b:s7+s2], $0x80, v23, vm1, $0xb8;
	[tilespmem:$0x1C800] =	vst v63  }
0x1a9: {  	s26 =	simm.s32 $0x1C280;
	v54 =	vperm.xlane v21, v12;
	v23 =	vadd.s32 v6, v53  }
0x1aa: {  	[tilespmem:s26], [sflag:$0x4] =	stream.indirect_vreg.gather [hbm4b:s7+s2], $0x80, v51, vm1, $0xb8;
	[tilespmem:$0x1C800] =	vst v63  }
0x1ab: {  	s28 =	simm.s32 $0x1C300;
	v56 =	vperm.xlane v21, v13;
	v55 =	vadd.s32 v6, v54  }
0x1ac: {  	[tilespmem:s28], [sflag:$0x4] =	stream.indirect_vreg.gather [hbm4b:s7+s2], $0x80, v22, vm1, $0xb8;
	[tilespmem:$0x1C800] =	vst v63  }
0x1ad: {  	v57 =	vperm.xlane v21, v14;
	v22 =	vadd.s32 v6, v56  }
0x1ae: {  	[tilespmem:s29], [sflag:$0x4] =	stream.indirect_vreg.gather [hbm4b:s7+s2], $0x80, v23, vm1, $0xb8;
	[tilespmem:$0x1C800] =	vst v63  }
0x1af: {  	v58 =	vperm.xlane v21, v15;
	v23 =	vadd.s32 v6, v57  }
0x1b0: {  	[tilespmem:s30], [sflag:$0x4] =	stream.indirect_vreg.gather [hbm4b:s7+s2], $0x80, v55, vm1, $0xb8;
	[tilespmem:$0x1C800] =	vst v63  }
0x1b1: {  	v60 =	vperm.xlane v21, v16;
	v59 =	vadd.s32 v6, v58  }
0x1b2: {  	[tilespmem:s31], [sflag:$0x4] =	stream.indirect_vreg.gather [hbm4b:s7+s2], $0x80, v22, vm1, $0xb8;
	[tilespmem:$0x1C800] =	vst v63  }
0x1b3: {  	v61 =	vperm.xlane v21, v17;
	v22 =	vadd.s32 v6, v60  }
0x1b4: {  	[tilespmem:s1], [sflag:$0x4] =	stream.indirect_vreg.gather [hbm4b:s7+s2], $0x80, v23, vm1, $0xb8;
	[tilespmem:$0x1C800] =	vst v63  }
0x1b5: {  	v62 =	vperm.xlane v21, v18;
	v23 =	vadd.s32 v6, v61  }
0x1b6: {  	[tilespmem:s0], [sflag:$0x4] =	stream.indirect_vreg.gather [hbm4b:s7+s2], $0x80, v59, vm1, $0xb8;
	[tilespmem:$0x1C800] =	vst v63  }
0x1b7: {  	v21 =	vperm.xlane v21, v19;
	v63 =	vadd.s32 v6, v62  }
0x1b8: {  	[tilespmem:s6], [sflag:$0x4] =	stream.indirect_vreg.gather [hbm4b:s7+s2], $0x80, v22, vm1, $0xb8;
	[tilespmem:$0x1C800] =	vst v63  }
0x1b9: {  	v21 =	vadd.s32 v6, v21  }
0x1ba: {  	[tilespmem:s9], [sflag:$0x4] =	stream.indirect_vreg.gather [hbm4b:s7+s2], $0x80, v23, vm1, $0xb8;
	[tilespmem:$0x1C800] =	vst v63  }
0x1bb: {  	_ = 	snop  }
0x1bc: {  	[tilespmem:s12], [sflag:$0x4] =	stream.indirect_vreg.gather [hbm4b:s7+s2], $0x80, v63, vm1, $0xb8;
	[tilespmem:$0x1C800] =	vst v63  }
0x1bd: {  	s20 =	simm.s32 $0x0  }
0x1be: {  	[tilespmem:s13], [sflag:$0x4] =	stream.indirect_vreg.gather [hbm4b:s7+s2], $0x80, v21, vm1, $0xb8;
	[tilespmem:$0x1C800] =	vst v63  }
.LBB2_2:
0x1bf: {  	_ =	swait.ge [sflag:s14], $0x2000  }
0x1c0: {  	[sflag:s14] =	ssyncset.done $0x0  }
0x1c1: {  	s22 =	simm.s32 $0x18820;
	[sflag:s14] =	ssyncadd.s32 $0xFFFFE000  }
0x1c2: {  	s21 =	simm.s32 $0x0;
	v21 =	vld [tilespmem:s22+$0xFFFFFFE0]  }
0x1c3: {  	s23 =	smul.u32 $0x3000, s21  }
0x1c4: {  	s21 =	simm.s32 $0x0  }
0x1c5: {  	s24 =	sand.u32 $0x380, s21;
	s23 =	sshra.s32 s23, $0x2  }
0x1c6: {  	s23 =	sor.u32 s24, s23  }
0x1c7: {  	[tilespmem:s23+$0xD000] =	vst v21  }
0x1c8: {  	v22 =	vmov s21;
	v21 =	vld [tilespmem:s22+$0xFFFFFFF0]  }
0x1c9: {  	v23 =	vshrl.u32 v22, $0x3  }
0x1ca: {  	v22 =	vshll.u32 v22, $0x7;
	v23 =	vmul.u32 $0xC00, v23  }
0x1cb: {  	v22 =	vand.u32 $0x380, v22  }
0x1cc: {  	v22 =	vor.u32 v22, v23  }
0x1cd: {  	[tilespmem:s23+$0xD010] =	vst v21;
	v21 =	vor.u32 v20, v22  }
0x1ce: {  	v22 =	vld [tilespmem:s22+$0x0];
	v21 =	vadd.s32 $0x800, v21;
	_ =	sdelay $0x4  }
0x1cf: {  	s22 =	simm.s32 $0x188A0;
	[tilespmem:v21+s11+$0x0] =	vst.idx.msk $0xfff, v22  }
0x1d0: {  	s25 =	simm.s32 $0x0;
	s24 =	simm.s32 $0x2;
	s23 =	simm.s32 $0x1;
	v21 =	vld [tilespmem:s22+$0xFFFFFFE0]  }
.LBB2_3:
0x1d1: {  	p0 =	sne.s32 s24, $0x3F;
	s25 =	smul.u32 $0x3000, s25  }
0x1d2: {  	s21 =	sadd.s32 $0x80, s21  }
0x1d3: {  	s26 =	sand.u32 $0x380, s21;
	s25 =	sshra.s32 s25, $0x2  }
0x1d4: {  	s25 =	sor.u32 s26, s25  }
0x1d5: {  	[tilespmem:s25+$0xD000] =	vst v21  }
0x1d6: {  	v22 =	vmov s23;
	s23 =	smov.u32 s24;
	v21 =	vld [tilespmem:s22+$0xFFFFFFF0]  }
0x1d7: {  	v23 =	vshrl.u32 v22, $0x3  }
0x1d8: {  	v22 =	vshll.u32 v22, $0x7;
	v23 =	vmul.u32 $0xC00, v23  }
0x1d9: {  	v22 =	vand.u32 $0x380, v22  }
0x1da: {  	v22 =	vor.u32 v22, v23  }
0x1db: {  	[tilespmem:s25+$0xD010] =	vst v21;
	v21 =	vor.u32 v20, v22  }
0x1dc: {  	v22 =	vld [tilespmem:s22+$0x0];
	v21 =	vadd.s32 $0x800, v21;
	_ =	sdelay $0x1  }
.Ltmp2:
0x1dd: {  	(pc) =	sbr.rel @p0 .LBB2_3-.Ltmp2, $3  }
0x1de: {  	_ =	sdelay $0x1  }
0x1df: {  	s22 =	sadd.s32 $0x80, s22;
	[tilespmem:v21+s11+$0x0] =	vst.idx.msk $0xfff, v22  }
0x1e0: {  	s24 =	sadd.s32 $0x1, s24;
	s25 =	sshrl.u32 s23, $0x3;
	v21 =	vld [tilespmem:s22+$0xFFFFFFE0]  }
0x1e1: {  	s24 =	smul.u32 $0x3000, s25  }
0x1e2: {  	s21 =	sadd.s32 $0x80, s21  }
0x1e3: {  	s21 =	sand.u32 $0x380, s21;
	s24 =	sshra.s32 s24, $0x2  }
0x1e4: {  	s21 =	sor.u32 s21, s24  }
0x1e5: {  	[tilespmem:s21+$0xD000] =	vst v21  }
0x1e6: {  	v22 =	vmov s23;
	v21 =	vld [tilespmem:s22+$0xFFFFFFF0]  }
0x1e7: {  	v23 =	vshrl.u32 v22, $0x3  }
0x1e8: {  	v22 =	vshll.u32 v22, $0x7;
	v23 =	vmul.u32 $0xC00, v23  }
0x1e9: {  	v22 =	vand.u32 $0x380, v22  }
0x1ea: {  	v22 =	vor.u32 v22, v23  }
0x1eb: {  	[tilespmem:s21+$0xD010] =	vst v21;
	v21 =	vor.u32 v20, v22  }
0x1ec: {  	v22 =	vld [tilespmem:s22+$0x0];
	v21 =	vadd.s32 $0x800, v21;
	_ =	sdelay $0x2  }
0x1ed: {  	s21 =	sshll.u32 s20, $0x7  }
0x1ee: {  	s24 =	sadd.s32 s3, s21  }
0x1ef: {  	s22 =	sshrl.u32 s24, $0x3;
	[tilespmem:v21+s11+$0x0] =	vst.idx.msk $0xfff, v22  }
0x1f0: {  	s22 =	smul.u32 $0x180, s22;
	_ =	swait.ge [sflag:s15], $0x4000  }
0x1f1: {  	[sflag:s15] =	ssyncset.done $0x0  }
0x1f2: {  	s25 =	sadd.s32 s5, s22;
	s22 =	simm.s32 $0x0;
	[sflag:s15] =	ssyncadd.s32 $0xFFFFC000  }
0x1f3: {  	[hbm4b:s25+s22] =	stream.linear.scatter [tilespmem:s11], [sflag:$0x5], $0x6000, $0x38;
	[tilespmem:$0x1C800] =	vst v63  }
0x1f4: {  	_ =	swait.ge [sflag:s16], $0x2000  }
0x1f5: {  	[sflag:s16] =	ssyncset.done $0x0  }
0x1f6: {  	s23 =	simm.s32 $0x1A820;
	[sflag:s16] =	ssyncadd.s32 $0xFFFFE000  }
0x1f7: {  	s26 =	simm.s32 $0x0;
	v21 =	vld [tilespmem:s23+$0xFFFFFFE0]  }
0x1f8: {  	s24 =	smul.u32 $0x3000, s26;
	_ =	sdelay $0x1  }
0x1f9: {  	s24 =	sshra.s32 s24, $0x2;
	s28 =	sand.u32 $0x380, s22  }
0x1fa: {  	s24 =	sor.u32 s28, s24  }
0x1fb: {  	[tilespmem:s24+$0x13000] =	vst v21  }
0x1fc: {  	v22 =	vmov s22;
	v21 =	vld [tilespmem:s23+$0xFFFFFFF0]  }
0x1fd: {  	v23 =	vshrl.u32 v22, $0x3  }
0x1fe: {  	v22 =	vshll.u32 v22, $0x7;
	v23 =	vmul.u32 $0xC00, v23  }
0x1ff: {  	v22 =	vand.u32 $0x380, v22  }
0x200: {  	v22 =	vor.u32 v22, v23;
	s24 =	sadd.s32 $0x13000, s24  }
0x201: {  	[tilespmem:s24+$0x10] =	vst v21;
	v21 =	vor.u32 v20, v22  }
0x202: {  	v22 =	vld [tilespmem:s23+$0x0];
	v21 =	vadd.s32 $0x800, v21;
	_ =	sdelay $0x4  }
0x203: {  	s23 =	simm.s32 $0x1A8A0;
	[tilespmem:v21+s10+$0x0] =	vst.idx.msk $0xfff, v22  }
0x204: {  	s26 =	simm.s32 $0x0;
	s25 =	simm.s32 $0x2;
	s24 =	simm.s32 $0x1;
	v21 =	vld [tilespmem:s23+$0xFFFFFFE0]  }
.LBB2_5:
0x205: {  	p0 =	sne.s32 s25, $0x3F;
	s26 =	smul.u32 $0x3000, s26  }
0x206: {  	s22 =	sadd.s32 $0x80, s22  }
0x207: {  	s28 =	sand.u32 $0x380, s22;
	s26 =	sshra.s32 s26, $0x2  }
0x208: {  	s26 =	sor.u32 s28, s26  }
0x209: {  	[tilespmem:s26+$0x13000] =	vst v21  }
0x20a: {  	v22 =	vmov s24;
	s24 =	smov.u32 s25;
	v21 =	vld [tilespmem:s23+$0xFFFFFFF0]  }
0x20b: {  	v23 =	vshrl.u32 v22, $0x3  }
0x20c: {  	v22 =	vshll.u32 v22, $0x7;
	v23 =	vmul.u32 $0xC00, v23  }
0x20d: {  	v22 =	vand.u32 $0x380, v22  }
0x20e: {  	s26 =	sadd.s32 $0x13000, s26;
	v22 =	vor.u32 v22, v23  }
0x20f: {  	[tilespmem:s26+$0x10] =	vst v21;
	v21 =	vor.u32 v20, v22  }
0x210: {  	v22 =	vld [tilespmem:s23+$0x0];
	v21 =	vadd.s32 $0x800, v21;
	_ =	sdelay $0x1  }
.Ltmp3:
0x211: {  	(pc) =	sbr.rel @p0 .LBB2_5-.Ltmp3, $3  }
0x212: {  	_ =	sdelay $0x1  }
0x213: {  	s23 =	sadd.s32 $0x80, s23;
	[tilespmem:v21+s10+$0x0] =	vst.idx.msk $0xfff, v22  }
0x214: {  	s25 =	sadd.s32 $0x1, s25;
	s26 =	sshrl.u32 s24, $0x3;
	v21 =	vld [tilespmem:s23+$0xFFFFFFE0]  }
0x215: {  	s25 =	smul.u32 $0x3000, s26  }
0x216: {  	s22 =	sadd.s32 $0x80, s22  }
0x217: {  	s22 =	sand.u32 $0x380, s22;
	s25 =	sshra.s32 s25, $0x2  }
0x218: {  	s22 =	sor.u32 s22, s25  }
0x219: {  	[tilespmem:s22+$0x13000] =	vst v21  }
0x21a: {  	v22 =	vmov s24;
	v21 =	vld [tilespmem:s23+$0xFFFFFFF0]  }
0x21b: {  	v23 =	vshrl.u32 v22, $0x3  }
0x21c: {  	v22 =	vshll.u32 v22, $0x7;
	v23 =	vmul.u32 $0xC00, v23  }
0x21d: {  	v22 =	vand.u32 $0x380, v22  }
0x21e: {  	s22 =	sadd.s32 $0x13000, s22;
	v22 =	vor.u32 v22, v23  }
0x21f: {  	[tilespmem:s22+$0x10] =	vst v21;
	v21 =	vor.u32 v20, v22  }
0x220: {  	v22 =	vld [tilespmem:s23+$0x0];
	v21 =	vadd.s32 $0x800, v21;
	_ =	sdelay $0x3  }
0x221: {  	s21 =	sadd.s32 s21, s8;
	p0 =	seq.s32 s20, $0xC7  }
.Ltmp4:
0x222: {  	s21 =	sshrl.u32 s21, $0x3;
	[tilespmem:v21+s10+$0x0] =	vst.idx.msk $0xfff, v22;
	(pc) =	sbr.rel @p0 .LBB2_8-.Ltmp4, $4  }
0x223: {  	s21 =	smul.u32 $0x180, s21;
	_ =	swait.ge [sflag:s17], $0x4000  }
0x224: {  	[sflag:s17] =	ssyncset.done $0x0  }
0x225: {  	s21 =	sadd.s32 s5, s21;
	[sflag:s17] =	ssyncadd.s32 $0xFFFFC000  }
0x226: {  	[hbm4b:s21+s2] =	stream.linear.scatter [tilespmem:s10], [sflag:$0x6], $0x6000, $0x38;
	[tilespmem:$0x1C800] =	vst v63  }
0x227: {  	_ =	swait.ge [sflag:s18], $0x6000  }
0x228: {  	s21 =	sshll.u32 s20, $0x8;
	[sflag:s18] =	ssyncset.done $0x0  }
0x229: {  	s21 =	sand.u32 $0x3FFFFF00, s21;
	[sflag:s18] =	ssyncadd.s32 $0xFFFFA000  }
0x22a: {  	v21 =	vld [tilespmem:s21+$0x100];
	_ =	sdelay $0x4  }
0x22b: {  	v22 =	vshrl.u32 v21, $0x3  }
0x22c: {  	v22 =	vmul.u32 $0x18, v22  }
0x22d: {  	v21 =	vand.u32 $0x7, v21  }
0x22e: {  	v21 =	vor.u32 v21, v22  }
0x22f: {  	v22 =	vperm.xlane v21, v0;
	_ =	sdelay $0x1  }
0x230: {  	v21 =	vperm.xlane v21, v4;
	v22 =	vadd.s32 v2, v22;
	_ =	sdelay $0x1  }
0x231: {  	v21 =	vadd.s32 v2, v21;
	_ =	sdelay $0x2  }
0x232: {  	[tilespmem:s11], [sflag:$0x1] =	stream.indirect_vreg.gather [hbm4b:s4+s2], $0x80, v22, vm0, $0xb8;
	[tilespmem:$0x1C800] =	vst v63  }
0x233: {  	s22 =	simm.s32 $0xD400  }
0x234: {  	[tilespmem:s22], [sflag:$0x1] =	stream.indirect_vreg.gather [hbm4b:s4+s2], $0x80, v21, vm0, $0xb8;
	[tilespmem:$0x1C800] =	vst v63  }
0x235: {  	v21 =	vld [tilespmem:s21+$0x110];
	_ =	sdelay $0x4  }
0x236: {  	v22 =	vshrl.u32 v21, $0x3  }
0x237: {  	v22 =	vmul.u32 $0x18, v22  }
0x238: {  	v21 =	vand.u32 $0x7, v21  }
0x239: {  	v21 =	vor.u32 v21, v22  }
0x23a: {  	v22 =	vperm.xlane v21, v0;
	_ =	sdelay $0x1  }
0x23b: {  	v21 =	vperm.xlane v21, v4;
	v22 =	vadd.s32 v2, v22;
	_ =	sdelay $0x1  }
0x23c: {  	v21 =	vadd.s32 v2, v21;
	_ =	sdelay $0x1  }
0x23d: {  	s28 =	simm.s32 $0xE000  }
0x23e: {  	[tilespmem:s28], [sflag:$0x1] =	stream.indirect_vreg.gather [hbm4b:s4+s2], $0x80, v22, vm0, $0xb8;
	[tilespmem:$0x1C800] =	vst v63  }
0x23f: {  	s23 =	simm.s32 $0xEC00  }
0x240: {  	[tilespmem:s23], [sflag:$0x1] =	stream.indirect_vreg.gather [hbm4b:s4+s2], $0x80, v21, vm0, $0xb8;
	[tilespmem:$0x1C800] =	vst v63  }
0x241: {  	v21 =	vld [tilespmem:s21+$0x120];
	_ =	sdelay $0x4  }
0x242: {  	v22 =	vshrl.u32 v21, $0x3  }
0x243: {  	v22 =	vmul.u32 $0x18, v22  }
0x244: {  	v21 =	vand.u32 $0x7, v21  }
0x245: {  	v21 =	vor.u32 v21, v22  }
0x246: {  	v22 =	vperm.xlane v21, v0;
	_ =	sdelay $0x1  }
0x247: {  	v21 =	vperm.xlane v21, v4;
	v22 =	vadd.s32 v2, v22;
	_ =	sdelay $0x1  }
0x248: {  	v21 =	vadd.s32 v2, v21;
	_ =	sdelay $0x1  }
0x249: {  	s24 =	simm.s32 $0xF800  }
0x24a: {  	[tilespmem:s24], [sflag:$0x1] =	stream.indirect_vreg.gather [hbm4b:s4+s2], $0x80, v22, vm0, $0xb8;
	[tilespmem:$0x1C800] =	vst v63  }
0x24b: {  	s25 =	simm.s32 $0x10400  }
0x24c: {  	[tilespmem:s25], [sflag:$0x1] =	stream.indirect_vreg.gather [hbm4b:s4+s2], $0x80, v21, vm0, $0xb8;
	[tilespmem:$0x1C800] =	vst v63  }
0x24d: {  	v21 =	vld [tilespmem:s21+$0x130];
	_ =	sdelay $0x4  }
0x24e: {  	v22 =	vshrl.u32 v21, $0x3  }
0x24f: {  	v22 =	vmul.u32 $0x18, v22  }
0x250: {  	v21 =	vand.u32 $0x7, v21  }
0x251: {  	v21 =	vor.u32 v21, v22  }
0x252: {  	v22 =	vperm.xlane v21, v0;
	_ =	sdelay $0x1  }
0x253: {  	v21 =	vperm.xlane v21, v4;
	v22 =	vadd.s32 v2, v22;
	_ =	sdelay $0x1  }
0x254: {  	v21 =	vadd.s32 v2, v21;
	_ =	sdelay $0x1  }
0x255: {  	s26 =	simm.s32 $0x11000  }
0x256: {  	[tilespmem:s26], [sflag:$0x1] =	stream.indirect_vreg.gather [hbm4b:s4+s2], $0x80, v22, vm0, $0xb8;
	[tilespmem:$0x1C800] =	vst v63  }
0x257: {  	s28 =	simm.s32 $0x11C00  }
0x258: {  	[tilespmem:s28], [sflag:$0x1] =	stream.indirect_vreg.gather [hbm4b:s4+s2], $0x80, v21, vm0, $0xb8;
	[tilespmem:$0x1C800] =	vst v63  }
0x259: {  	v21 =	vld [tilespmem:s21+$0x100];
	_ =	sdelay $0x4  }
0x25a: {  	v22 =	vshrl.u32 v21, $0x3  }
0x25b: {  	v22 =	vmul.u32 $0x18, v22  }
0x25c: {  	v21 =	vand.u32 $0x7, v21  }
0x25d: {  	v21 =	vor.u32 v21, v22  }
0x25e: {  	v22 =	vperm.xlane v21, v5;
	_ =	sdelay $0x1  }
0x25f: {  	v23 =	vperm.xlane v21, v7;
	v22 =	vadd.s32 v6, v22;
	_ =	sdelay $0x1  }
0x260: {  	v24 =	vperm.xlane v21, v8;
	v23 =	vadd.s32 v6, v23;
	_ =	sdelay $0x1  }
0x261: {  	s23 =	simm.s32 $0x18800;
	v25 =	vperm.xlane v21, v3;
	v24 =	vadd.s32 v6, v24  }
0x262: {  	[tilespmem:s23], [sflag:$0x3] =	stream.indirect_vreg.gather [hbm4b:s7+s2], $0x80, v22, vm1, $0xb8;
	[tilespmem:$0x1C800] =	vst v63  }
0x263: {  	s24 =	simm.s32 $0x18880;
	v38 =	vperm.xlane v21, v9;
	v22 =	vadd.s32 v6, v25  }
0x264: {  	[tilespmem:s24], [sflag:$0x3] =	stream.indirect_vreg.gather [hbm4b:s7+s2], $0x80, v23, vm1, $0xb8;
	[tilespmem:$0x1C800] =	vst v63  }
0x265: {  	s25 =	simm.s32 $0x18900;
	v39 =	vperm.xlane v21, v10;
	v23 =	vadd.s32 v6, v38  }
0x266: {  	[tilespmem:s25], [sflag:$0x3] =	stream.indirect_vreg.gather [hbm4b:s7+s2], $0x80, v24, vm1, $0xb8;
	[tilespmem:$0x1C800] =	vst v63  }
0x267: {  	s26 =	simm.s32 $0x18980;
	v41 =	vperm.xlane v21, v11;
	v40 =	vadd.s32 v6, v39  }
0x268: {  	[tilespmem:s26], [sflag:$0x3] =	stream.indirect_vreg.gather [hbm4b:s7+s2], $0x80, v22, vm1, $0xb8;
	[tilespmem:$0x1C800] =	vst v63  }
0x269: {  	s28 =	simm.s32 $0x18A00;
	v42 =	vperm.xlane v21, v1;
	v22 =	vadd.s32 v6, v41  }
0x26a: {  	[tilespmem:s28], [sflag:$0x3] =	stream.indirect_vreg.gather [hbm4b:s7+s2], $0x80, v23, vm1, $0xb8;
	[tilespmem:$0x1C800] =	vst v63  }
0x26b: {  	v43 =	vperm.xlane v21, v12;
	s23 =	simm.s32 $0x18A80;
	v23 =	vadd.s32 v6, v42  }
0x26c: {  	[tilespmem:s23], [sflag:$0x3] =	stream.indirect_vreg.gather [hbm4b:s7+s2], $0x80, v40, vm1, $0xb8;
	[tilespmem:$0x1C800] =	vst v63  }
0x26d: {  	v45 =	vperm.xlane v21, v13;
	v44 =	vadd.s32 v6, v43;
	s24 =	simm.s32 $0x18B00  }
0x26e: {  	[tilespmem:s24], [sflag:$0x3] =	stream.indirect_vreg.gather [hbm4b:s7+s2], $0x80, v22, vm1, $0xb8;
	[tilespmem:$0x1C800] =	vst v63  }
0x26f: {  	v46 =	vperm.xlane v21, v14;
	s25 =	simm.s32 $0x18B80;
	v22 =	vadd.s32 v6, v45  }
0x270: {  	[tilespmem:s25], [sflag:$0x3] =	stream.indirect_vreg.gather [hbm4b:s7+s2], $0x80, v23, vm1, $0xb8;
	[tilespmem:$0x1C800] =	vst v63  }
0x271: {  	v47 =	vperm.xlane v21, v15;
	s26 =	simm.s32 $0x18C00;
	v23 =	vadd.s32 v6, v46  }
0x272: {  	[tilespmem:s26], [sflag:$0x3] =	stream.indirect_vreg.gather [hbm4b:s7+s2], $0x80, v44, vm1, $0xb8;
	[tilespmem:$0x1C800] =	vst v63  }
0x273: {  	v49 =	vperm.xlane v21, v16;
	v48 =	vadd.s32 v6, v47;
	s28 =	simm.s32 $0x18C80  }
0x274: {  	[tilespmem:s28], [sflag:$0x3] =	stream.indirect_vreg.gather [hbm4b:s7+s2], $0x80, v22, vm1, $0xb8;
	[tilespmem:$0x1C800] =	vst v63  }
0x275: {  	v50 =	vperm.xlane v21, v17;
	s23 =	simm.s32 $0x18D00;
	v22 =	vadd.s32 v6, v49  }
0x276: {  	[tilespmem:s23], [sflag:$0x3] =	stream.indirect_vreg.gather [hbm4b:s7+s2], $0x80, v23, vm1, $0xb8;
	[tilespmem:$0x1C800] =	vst v63  }
0x277: {  	v51 =	vperm.xlane v21, v18;
	s24 =	simm.s32 $0x18D80;
	v23 =	vadd.s32 v6, v50  }
0x278: {  	[tilespmem:s24], [sflag:$0x3] =	stream.indirect_vreg.gather [hbm4b:s7+s2], $0x80, v48, vm1, $0xb8;
	[tilespmem:$0x1C800] =	vst v63  }
0x279: {  	v21 =	vperm.xlane v21, v19;
	v52 =	vadd.s32 v6, v51;
	s25 =	simm.s32 $0x18E00  }
0x27a: {  	[tilespmem:s25], [sflag:$0x3] =	stream.indirect_vreg.gather [hbm4b:s7+s2], $0x80, v22, vm1, $0xb8;
	[tilespmem:$0x1C800] =	vst v63  }
0x27b: {  	v21 =	vadd.s32 v6, v21;
	s26 =	simm.s32 $0x18E80  }
0x27c: {  	[tilespmem:s26], [sflag:$0x3] =	stream.indirect_vreg.gather [hbm4b:s7+s2], $0x80, v23, vm1, $0xb8;
	[tilespmem:$0x1C800] =	vst v63  }
0x27d: {  	s28 =	simm.s32 $0x18F00  }
0x27e: {  	[tilespmem:s28], [sflag:$0x3] =	stream.indirect_vreg.gather [hbm4b:s7+s2], $0x80, v52, vm1, $0xb8;
	[tilespmem:$0x1C800] =	vst v63  }
0x27f: {  	s23 =	simm.s32 $0x18F80  }
0x280: {  	[tilespmem:s23], [sflag:$0x3] =	stream.indirect_vreg.gather [hbm4b:s7+s2], $0x80, v21, vm1, $0xb8;
	[tilespmem:$0x1C800] =	vst v63  }
0x281: {  	v21 =	vld [tilespmem:s21+$0x110];
	_ =	sdelay $0x4  }
0x282: {  	v22 =	vshrl.u32 v21, $0x3  }
0x283: {  	v22 =	vmul.u32 $0x18, v22  }
0x284: {  	v21 =	vand.u32 $0x7, v21  }
0x285: {  	v21 =	vor.u32 v21, v22  }
0x286: {  	v22 =	vperm.xlane v21, v5;
	_ =	sdelay $0x1  }
0x287: {  	v23 =	vperm.xlane v21, v7;
	v22 =	vadd.s32 v6, v22;
	_ =	sdelay $0x1  }
0x288: {  	v53 =	vperm.xlane v21, v8;
	v23 =	vadd.s32 v6, v23;
	_ =	sdelay $0x1  }
0x289: {  	s24 =	simm.s32 $0x19000;
	v54 =	vperm.xlane v21, v3;
	v24 =	vadd.s32 v6, v53  }
0x28a: {  	[tilespmem:s24], [sflag:$0x3] =	stream.indirect_vreg.gather [hbm4b:s7+s2], $0x80, v22, vm1, $0xb8;
	[tilespmem:$0x1C800] =	vst v63  }
0x28b: {  	s25 =	simm.s32 $0x19080;
	v55 =	vperm.xlane v21, v9;
	v22 =	vadd.s32 v6, v54  }
0x28c: {  	[tilespmem:s25], [sflag:$0x3] =	stream.indirect_vreg.gather [hbm4b:s7+s2], $0x80, v23, vm1, $0xb8;
	[tilespmem:$0x1C800] =	vst v63  }
0x28d: {  	s26 =	simm.s32 $0x19100;
	v56 =	vperm.xlane v21, v10;
	v23 =	vadd.s32 v6, v55  }
0x28e: {  	[tilespmem:s26], [sflag:$0x3] =	stream.indirect_vreg.gather [hbm4b:s7+s2], $0x80, v24, vm1, $0xb8;
	[tilespmem:$0x1C800] =	vst v63  }
0x28f: {  	s28 =	simm.s32 $0x19180;
	v58 =	vperm.xlane v21, v11;
	v57 =	vadd.s32 v6, v56  }
0x290: {  	[tilespmem:s28], [sflag:$0x3] =	stream.indirect_vreg.gather [hbm4b:s7+s2], $0x80, v22, vm1, $0xb8;
	[tilespmem:$0x1C800] =	vst v63  }
0x291: {  	s23 =	simm.s32 $0x19200;
	v59 =	vperm.xlane v21, v1;
	v22 =	vadd.s32 v6, v58  }
0x292: {  	[tilespmem:s23], [sflag:$0x3] =	stream.indirect_vreg.gather [hbm4b:s7+s2], $0x80, v23, vm1, $0xb8;
	[tilespmem:$0x1C800] =	vst v63  }
0x293: {  	v60 =	vperm.xlane v21, v12;
	s24 =	simm.s32 $0x19280;
	v23 =	vadd.s32 v6, v59  }
0x294: {  	[tilespmem:s24], [sflag:$0x3] =	stream.indirect_vreg.gather [hbm4b:s7+s2], $0x80, v57, vm1, $0xb8;
	[tilespmem:$0x1C800] =	vst v63  }
0x295: {  	v62 =	vperm.xlane v21, v13;
	v61 =	vadd.s32 v6, v60;
	s25 =	simm.s32 $0x19300  }
0x296: {  	[tilespmem:s25], [sflag:$0x3] =	stream.indirect_vreg.gather [hbm4b:s7+s2], $0x80, v22, vm1, $0xb8;
	[tilespmem:$0x1C800] =	vst v63  }
0x297: {  	v63 =	vperm.xlane v21, v14;
	s26 =	simm.s32 $0x19380;
	v22 =	vadd.s32 v6, v62  }
0x298: {  	[tilespmem:s26], [sflag:$0x3] =	stream.indirect_vreg.gather [hbm4b:s7+s2], $0x80, v23, vm1, $0xb8;
	[tilespmem:$0x1C800] =	vst v63  }
0x299: {  	v28 =	vperm.xlane v21, v15;
	s28 =	simm.s32 $0x19400;
	v23 =	vadd.s32 v6, v63  }
0x29a: {  	[tilespmem:s28], [sflag:$0x3] =	stream.indirect_vreg.gather [hbm4b:s7+s2], $0x80, v61, vm1, $0xb8;
	[tilespmem:$0x1C800] =	vst v63  }
0x29b: {  	v30 =	vperm.xlane v21, v16;
	v29 =	vadd.s32 v6, v28;
	s23 =	simm.s32 $0x19480  }
0x29c: {  	[tilespmem:s23], [sflag:$0x3] =	stream.indirect_vreg.gather [hbm4b:s7+s2], $0x80, v22, vm1, $0xb8;
	[tilespmem:$0x1C800] =	vst v63  }
0x29d: {  	v31 =	vperm.xlane v21, v17;
	s24 =	simm.s32 $0x19500;
	v22 =	vadd.s32 v6, v30  }
0x29e: {  	[tilespmem:s24], [sflag:$0x3] =	stream.indirect_vreg.gather [hbm4b:s7+s2], $0x80, v23, vm1, $0xb8;
	[tilespmem:$0x1C800] =	vst v63  }
0x29f: {  	v32 =	vperm.xlane v21, v18;
	s25 =	simm.s32 $0x19580;
	v23 =	vadd.s32 v6, v31  }
0x2a0: {  	[tilespmem:s25], [sflag:$0x3] =	stream.indirect_vreg.gather [hbm4b:s7+s2], $0x80, v29, vm1, $0xb8;
	[tilespmem:$0x1C800] =	vst v63  }
0x2a1: {  	v21 =	vperm.xlane v21, v19;
	v33 =	vadd.s32 v6, v32;
	s26 =	simm.s32 $0x19600  }
0x2a2: {  	[tilespmem:s26], [sflag:$0x3] =	stream.indirect_vreg.gather [hbm4b:s7+s2], $0x80, v22, vm1, $0xb8;
	[tilespmem:$0x1C800] =	vst v63  }
0x2a3: {  	v21 =	vadd.s32 v6, v21;
	s28 =	simm.s32 $0x19680  }
0x2a4: {  	[tilespmem:s28], [sflag:$0x3] =	stream.indirect_vreg.gather [hbm4b:s7+s2], $0x80, v23, vm1, $0xb8;
	[tilespmem:$0x1C800] =	vst v63  }
0x2a5: {  	s23 =	simm.s32 $0x19700  }
0x2a6: {  	[tilespmem:s23], [sflag:$0x3] =	stream.indirect_vreg.gather [hbm4b:s7+s2], $0x80, v33, vm1, $0xb8;
	[tilespmem:$0x1C800] =	vst v63  }
0x2a7: {  	s24 =	simm.s32 $0x19780  }
0x2a8: {  	[tilespmem:s24], [sflag:$0x3] =	stream.indirect_vreg.gather [hbm4b:s7+s2], $0x80, v21, vm1, $0xb8;
	[tilespmem:$0x1C800] =	vst v63  }
0x2a9: {  	v21 =	vld [tilespmem:s21+$0x120];
	_ =	sdelay $0x4  }
0x2aa: {  	v22 =	vshrl.u32 v21, $0x3  }
0x2ab: {  	v22 =	vmul.u32 $0x18, v22  }
0x2ac: {  	v21 =	vand.u32 $0x7, v21  }
0x2ad: {  	v21 =	vor.u32 v21, v22  }
0x2ae: {  	v22 =	vperm.xlane v21, v5;
	_ =	sdelay $0x1  }
0x2af: {  	v23 =	vperm.xlane v21, v7;
	v22 =	vadd.s32 v6, v22;
	_ =	sdelay $0x1  }
0x2b0: {  	v34 =	vperm.xlane v21, v8;
	v23 =	vadd.s32 v6, v23;
	_ =	sdelay $0x1  }
0x2b1: {  	s25 =	simm.s32 $0x19800;
	v35 =	vperm.xlane v21, v3;
	v24 =	vadd.s32 v6, v34  }
0x2b2: {  	[tilespmem:s25], [sflag:$0x3] =	stream.indirect_vreg.gather [hbm4b:s7+s2], $0x80, v22, vm1, $0xb8;
	[tilespmem:$0x1C800] =	vst v63  }
0x2b3: {  	s26 =	simm.s32 $0x19880;
	v36 =	vperm.xlane v21, v9;
	v22 =	vadd.s32 v6, v35  }
0x2b4: {  	[tilespmem:s26], [sflag:$0x3] =	stream.indirect_vreg.gather [hbm4b:s7+s2], $0x80, v23, vm1, $0xb8;
	[tilespmem:$0x1C800] =	vst v63  }
0x2b5: {  	s28 =	simm.s32 $0x19900;
	v37 =	vperm.xlane v21, v10;
	v23 =	vadd.s32 v6, v36  }
0x2b6: {  	[tilespmem:s28], [sflag:$0x3] =	stream.indirect_vreg.gather [hbm4b:s7+s2], $0x80, v24, vm1, $0xb8;
	[tilespmem:$0x1C800] =	vst v63  }
0x2b7: {  	s23 =	simm.s32 $0x19980;
	v39 =	vperm.xlane v21, v11;
	v38 =	vadd.s32 v6, v37  }
0x2b8: {  	[tilespmem:s23], [sflag:$0x3] =	stream.indirect_vreg.gather [hbm4b:s7+s2], $0x80, v22, vm1, $0xb8;
	[tilespmem:$0x1C800] =	vst v63  }
0x2b9: {  	s24 =	simm.s32 $0x19A00;
	v40 =	vperm.xlane v21, v1;
	v22 =	vadd.s32 v6, v39  }
0x2ba: {  	[tilespmem:s24], [sflag:$0x3] =	stream.indirect_vreg.gather [hbm4b:s7+s2], $0x80, v23, vm1, $0xb8;
	[tilespmem:$0x1C800] =	vst v63  }
0x2bb: {  	v41 =	vperm.xlane v21, v12;
	s25 =	simm.s32 $0x19A80;
	v23 =	vadd.s32 v6, v40  }
0x2bc: {  	[tilespmem:s25], [sflag:$0x3] =	stream.indirect_vreg.gather [hbm4b:s7+s2], $0x80, v38, vm1, $0xb8;
	[tilespmem:$0x1C800] =	vst v63  }
0x2bd: {  	v43 =	vperm.xlane v21, v13;
	v42 =	vadd.s32 v6, v41;
	s26 =	simm.s32 $0x19B00  }
0x2be: {  	[tilespmem:s26], [sflag:$0x3] =	stream.indirect_vreg.gather [hbm4b:s7+s2], $0x80, v22, vm1, $0xb8;
	[tilespmem:$0x1C800] =	vst v63  }
0x2bf: {  	v44 =	vperm.xlane v21, v14;
	s28 =	simm.s32 $0x19B80;
	v22 =	vadd.s32 v6, v43  }
0x2c0: {  	[tilespmem:s28], [sflag:$0x3] =	stream.indirect_vreg.gather [hbm4b:s7+s2], $0x80, v23, vm1, $0xb8;
	[tilespmem:$0x1C800] =	vst v63  }
0x2c1: {  	v45 =	vperm.xlane v21, v15;
	s23 =	simm.s32 $0x19C00;
	v23 =	vadd.s32 v6, v44  }
0x2c2: {  	[tilespmem:s23], [sflag:$0x3] =	stream.indirect_vreg.gather [hbm4b:s7+s2], $0x80, v42, vm1, $0xb8;
	[tilespmem:$0x1C800] =	vst v63  }
0x2c3: {  	v47 =	vperm.xlane v21, v16;
	v46 =	vadd.s32 v6, v45;
	s24 =	simm.s32 $0x19C80  }
0x2c4: {  	[tilespmem:s24], [sflag:$0x3] =	stream.indirect_vreg.gather [hbm4b:s7+s2], $0x80, v22, vm1, $0xb8;
	[tilespmem:$0x1C800] =	vst v63  }
0x2c5: {  	v48 =	vperm.xlane v21, v17;
	s25 =	simm.s32 $0x19D00;
	v22 =	vadd.s32 v6, v47  }
0x2c6: {  	[tilespmem:s25], [sflag:$0x3] =	stream.indirect_vreg.gather [hbm4b:s7+s2], $0x80, v23, vm1, $0xb8;
	[tilespmem:$0x1C800] =	vst v63  }
0x2c7: {  	v49 =	vperm.xlane v21, v18;
	s26 =	simm.s32 $0x19D80;
	v23 =	vadd.s32 v6, v48  }
0x2c8: {  	[tilespmem:s26], [sflag:$0x3] =	stream.indirect_vreg.gather [hbm4b:s7+s2], $0x80, v46, vm1, $0xb8;
	[tilespmem:$0x1C800] =	vst v63  }
0x2c9: {  	v21 =	vperm.xlane v21, v19;
	v50 =	vadd.s32 v6, v49;
	s28 =	simm.s32 $0x19E00  }
0x2ca: {  	[tilespmem:s28], [sflag:$0x3] =	stream.indirect_vreg.gather [hbm4b:s7+s2], $0x80, v22, vm1, $0xb8;
	[tilespmem:$0x1C800] =	vst v63  }
0x2cb: {  	v21 =	vadd.s32 v6, v21;
	s23 =	simm.s32 $0x19E80  }
0x2cc: {  	[tilespmem:s23], [sflag:$0x3] =	stream.indirect_vreg.gather [hbm4b:s7+s2], $0x80, v23, vm1, $0xb8;
	[tilespmem:$0x1C800] =	vst v63  }
0x2cd: {  	s24 =	simm.s32 $0x19F00  }
0x2ce: {  	[tilespmem:s24], [sflag:$0x3] =	stream.indirect_vreg.gather [hbm4b:s7+s2], $0x80, v50, vm1, $0xb8;
	[tilespmem:$0x1C800] =	vst v63  }
0x2cf: {  	s25 =	simm.s32 $0x19F80  }
0x2d0: {  	[tilespmem:s25], [sflag:$0x3] =	stream.indirect_vreg.gather [hbm4b:s7+s2], $0x80, v21, vm1, $0xb8;
	[tilespmem:$0x1C800] =	vst v63  }
0x2d1: {  	v21 =	vld [tilespmem:s21+$0x130];
	_ =	sdelay $0x4  }
0x2d2: {  	v22 =	vshrl.u32 v21, $0x3  }
0x2d3: {  	v22 =	vmul.u32 $0x18, v22  }
0x2d4: {  	v21 =	vand.u32 $0x7, v21  }
0x2d5: {  	v21 =	vor.u32 v21, v22  }
0x2d6: {  	v22 =	vperm.xlane v21, v5;
	_ =	sdelay $0x1  }
0x2d7: {  	v23 =	vperm.xlane v21, v7;
	v22 =	vadd.s32 v6, v22;
	_ =	sdelay $0x1  }
0x2d8: {  	v51 =	vperm.xlane v21, v8;
	v23 =	vadd.s32 v6, v23;
	_ =	sdelay $0x1  }
0x2d9: {  	s26 =	simm.s32 $0x1A000;
	v52 =	vperm.xlane v21, v3;
	v24 =	vadd.s32 v6, v51  }
0x2da: {  	[tilespmem:s26], [sflag:$0x3] =	stream.indirect_vreg.gather [hbm4b:s7+s2], $0x80, v22, vm1, $0xb8;
	[tilespmem:$0x1C800] =	vst v63  }
0x2db: {  	s28 =	simm.s32 $0x1A080;
	v53 =	vperm.xlane v21, v9;
	v22 =	vadd.s32 v6, v52  }
0x2dc: {  	[tilespmem:s28], [sflag:$0x3] =	stream.indirect_vreg.gather [hbm4b:s7+s2], $0x80, v23, vm1, $0xb8;
	[tilespmem:$0x1C800] =	vst v63  }
0x2dd: {  	s23 =	simm.s32 $0x1A100;
	v54 =	vperm.xlane v21, v10;
	v23 =	vadd.s32 v6, v53  }
0x2de: {  	[tilespmem:s23], [sflag:$0x3] =	stream.indirect_vreg.gather [hbm4b:s7+s2], $0x80, v24, vm1, $0xb8;
	[tilespmem:$0x1C800] =	vst v63  }
0x2df: {  	s24 =	simm.s32 $0x1A180;
	v56 =	vperm.xlane v21, v11;
	v55 =	vadd.s32 v6, v54  }
0x2e0: {  	[tilespmem:s24], [sflag:$0x3] =	stream.indirect_vreg.gather [hbm4b:s7+s2], $0x80, v22, vm1, $0xb8;
	[tilespmem:$0x1C800] =	vst v63  }
0x2e1: {  	s25 =	simm.s32 $0x1A200;
	v57 =	vperm.xlane v21, v1;
	v22 =	vadd.s32 v6, v56  }
0x2e2: {  	[tilespmem:s25], [sflag:$0x3] =	stream.indirect_vreg.gather [hbm4b:s7+s2], $0x80, v23, vm1, $0xb8;
	[tilespmem:$0x1C800] =	vst v63  }
0x2e3: {  	v58 =	vperm.xlane v21, v12;
	s26 =	simm.s32 $0x1A280;
	v23 =	vadd.s32 v6, v57  }
0x2e4: {  	[tilespmem:s26], [sflag:$0x3] =	stream.indirect_vreg.gather [hbm4b:s7+s2], $0x80, v55, vm1, $0xb8;
	[tilespmem:$0x1C800] =	vst v63  }
0x2e5: {  	v60 =	vperm.xlane v21, v13;
	v59 =	vadd.s32 v6, v58;
	s28 =	simm.s32 $0x1A300  }
0x2e6: {  	[tilespmem:s28], [sflag:$0x3] =	stream.indirect_vreg.gather [hbm4b:s7+s2], $0x80, v22, vm1, $0xb8;
	[tilespmem:$0x1C800] =	vst v63  }
0x2e7: {  	v61 =	vperm.xlane v21, v14;
	s23 =	simm.s32 $0x1A380;
	v22 =	vadd.s32 v6, v60  }
0x2e8: {  	[tilespmem:s23], [sflag:$0x3] =	stream.indirect_vreg.gather [hbm4b:s7+s2], $0x80, v23, vm1, $0xb8;
	[tilespmem:$0x1C800] =	vst v63  }
0x2e9: {  	v62 =	vperm.xlane v21, v15;
	s24 =	simm.s32 $0x1A400;
	v23 =	vadd.s32 v6, v61  }
0x2ea: {  	[tilespmem:s24], [sflag:$0x3] =	stream.indirect_vreg.gather [hbm4b:s7+s2], $0x80, v59, vm1, $0xb8;
	[tilespmem:$0x1C800] =	vst v63  }
0x2eb: {  	v28 =	vperm.xlane v21, v16;
	v63 =	vadd.s32 v6, v62;
	s25 =	simm.s32 $0x1A480  }
0x2ec: {  	[tilespmem:s25], [sflag:$0x3] =	stream.indirect_vreg.gather [hbm4b:s7+s2], $0x80, v22, vm1, $0xb8;
	[tilespmem:$0x1C800] =	vst v63  }
0x2ed: {  	v29 =	vperm.xlane v21, v17;
	s26 =	simm.s32 $0x1A500;
	v22 =	vadd.s32 v6, v28  }
0x2ee: {  	[tilespmem:s26], [sflag:$0x3] =	stream.indirect_vreg.gather [hbm4b:s7+s2], $0x80, v23, vm1, $0xb8;
	[tilespmem:$0x1C800] =	vst v63  }
0x2ef: {  	v30 =	vperm.xlane v21, v18;
	s28 =	simm.s32 $0x1A580;
	v23 =	vadd.s32 v6, v29  }
0x2f0: {  	[tilespmem:s28], [sflag:$0x3] =	stream.indirect_vreg.gather [hbm4b:s7+s2], $0x80, v63, vm1, $0xb8;
	[tilespmem:$0x1C800] =	vst v63  }
0x2f1: {  	v21 =	vperm.xlane v21, v19;
	v31 =	vadd.s32 v6, v30;
	s23 =	simm.s32 $0x1A600  }
0x2f2: {  	[tilespmem:s23], [sflag:$0x3] =	stream.indirect_vreg.gather [hbm4b:s7+s2], $0x80, v22, vm1, $0xb8;
	[tilespmem:$0x1C800] =	vst v63  }
0x2f3: {  	v21 =	vadd.s32 v6, v21;
	s24 =	simm.s32 $0x1A680  }
0x2f4: {  	[tilespmem:s24], [sflag:$0x3] =	stream.indirect_vreg.gather [hbm4b:s7+s2], $0x80, v23, vm1, $0xb8;
	[tilespmem:$0x1C800] =	vst v63  }
0x2f5: {  	s25 =	simm.s32 $0x1A700  }
0x2f6: {  	[tilespmem:s25], [sflag:$0x3] =	stream.indirect_vreg.gather [hbm4b:s7+s2], $0x80, v31, vm1, $0xb8;
	[tilespmem:$0x1C800] =	vst v63  }
0x2f7: {  	s26 =	simm.s32 $0x1A780  }
0x2f8: {  	[tilespmem:s26], [sflag:$0x3] =	stream.indirect_vreg.gather [hbm4b:s7+s2], $0x80, v21, vm1, $0xb8;
	[tilespmem:$0x1C800] =	vst v63  }
0x2f9: {  	_ =	swait.ge [sflag:s19], $0x6000  }
0x2fa: {  	[sflag:s19] =	ssyncset.done $0x0  }
0x2fb: {  	[sflag:s19] =	ssyncadd.s32 $0xFFFFA000  }
0x2fc: {  	v21 =	vld [tilespmem:s21+$0x180];
	_ =	sdelay $0x4  }
0x2fd: {  	v22 =	vshrl.u32 v21, $0x3  }
0x2fe: {  	v22 =	vmul.u32 $0x18, v22  }
0x2ff: {  	v21 =	vand.u32 $0x7, v21  }
0x300: {  	v21 =	vor.u32 v21, v22  }
0x301: {  	v22 =	vperm.xlane v21, v0;
	_ =	sdelay $0x1  }
0x302: {  	v21 =	vperm.xlane v21, v4;
	v22 =	vadd.s32 v2, v22;
	_ =	sdelay $0x1  }
0x303: {  	v21 =	vadd.s32 v2, v21;
	_ =	sdelay $0x2  }
0x304: {  	[tilespmem:s10], [sflag:$0x2] =	stream.indirect_vreg.gather [hbm4b:s4+s2], $0x80, v22, vm0, $0xb8;
	[tilespmem:$0x1C800] =	vst v63  }
0x305: {  	s28 =	simm.s32 $0x13400  }
0x306: {  	[tilespmem:s28], [sflag:$0x2] =	stream.indirect_vreg.gather [hbm4b:s4+s2], $0x80, v21, vm0, $0xb8;
	[tilespmem:$0x1C800] =	vst v63  }
0x307: {  	v21 =	vld [tilespmem:s21+$0x190];
	_ =	sdelay $0x4  }
0x308: {  	v22 =	vshrl.u32 v21, $0x3  }
0x309: {  	v22 =	vmul.u32 $0x18, v22  }
0x30a: {  	v21 =	vand.u32 $0x7, v21  }
0x30b: {  	v21 =	vor.u32 v21, v22  }
0x30c: {  	v22 =	vperm.xlane v21, v0;
	_ =	sdelay $0x1  }
0x30d: {  	v21 =	vperm.xlane v21, v4;
	v22 =	vadd.s32 v2, v22;
	_ =	sdelay $0x1  }
0x30e: {  	v21 =	vadd.s32 v2, v21;
	_ =	sdelay $0x1  }
0x30f: {  	s23 =	simm.s32 $0x14000  }
0x310: {  	[tilespmem:s23], [sflag:$0x2] =	stream.indirect_vreg.gather [hbm4b:s4+s2], $0x80, v22, vm0, $0xb8;
	[tilespmem:$0x1C800] =	vst v63  }
0x311: {  	s24 =	simm.s32 $0x14C00  }
0x312: {  	[tilespmem:s24], [sflag:$0x2] =	stream.indirect_vreg.gather [hbm4b:s4+s2], $0x80, v21, vm0, $0xb8;
	[tilespmem:$0x1C800] =	vst v63  }
0x313: {  	v21 =	vld [tilespmem:s21+$0x1A0];
	_ =	sdelay $0x4  }
0x314: {  	v22 =	vshrl.u32 v21, $0x3  }
0x315: {  	v22 =	vmul.u32 $0x18, v22  }
0x316: {  	v21 =	vand.u32 $0x7, v21  }
0x317: {  	v21 =	vor.u32 v21, v22  }
0x318: {  	v22 =	vperm.xlane v21, v0;
	_ =	sdelay $0x1  }
0x319: {  	v21 =	vperm.xlane v21, v4;
	v22 =	vadd.s32 v2, v22;
	_ =	sdelay $0x1  }
0x31a: {  	v21 =	vadd.s32 v2, v21;
	_ =	sdelay $0x1  }
0x31b: {  	s25 =	simm.s32 $0x15800  }
0x31c: {  	[tilespmem:s25], [sflag:$0x2] =	stream.indirect_vreg.gather [hbm4b:s4+s2], $0x80, v22, vm0, $0xb8;
	[tilespmem:$0x1C800] =	vst v63  }
0x31d: {  	s26 =	simm.s32 $0x16400  }
0x31e: {  	[tilespmem:s26], [sflag:$0x2] =	stream.indirect_vreg.gather [hbm4b:s4+s2], $0x80, v21, vm0, $0xb8;
	[tilespmem:$0x1C800] =	vst v63  }
0x31f: {  	v21 =	vld [tilespmem:s21+$0x1B0];
	_ =	sdelay $0x4  }
0x320: {  	v22 =	vshrl.u32 v21, $0x3  }
0x321: {  	v22 =	vmul.u32 $0x18, v22  }
0x322: {  	v21 =	vand.u32 $0x7, v21  }
0x323: {  	v21 =	vor.u32 v21, v22  }
0x324: {  	v22 =	vperm.xlane v21, v0;
	_ =	sdelay $0x1  }
0x325: {  	v21 =	vperm.xlane v21, v4;
	v22 =	vadd.s32 v2, v22;
	_ =	sdelay $0x1  }
0x326: {  	v21 =	vadd.s32 v2, v21;
	_ =	sdelay $0x1  }
0x327: {  	s28 =	simm.s32 $0x17000  }
0x328: {  	[tilespmem:s28], [sflag:$0x2] =	stream.indirect_vreg.gather [hbm4b:s4+s2], $0x80, v22, vm0, $0xb8;
	[tilespmem:$0x1C800] =	vst v63  }
0x329: {  	s23 =	simm.s32 $0x17C00  }
0x32a: {  	[tilespmem:s23], [sflag:$0x2] =	stream.indirect_vreg.gather [hbm4b:s4+s2], $0x80, v21, vm0, $0xb8;
	[tilespmem:$0x1C800] =	vst v63  }
0x32b: {  	v21 =	vld [tilespmem:s21+$0x180];
	_ =	sdelay $0x4  }
0x32c: {  	v22 =	vshrl.u32 v21, $0x3  }
0x32d: {  	v22 =	vmul.u32 $0x18, v22  }
0x32e: {  	v21 =	vand.u32 $0x7, v21  }
0x32f: {  	v21 =	vor.u32 v21, v22  }
0x330: {  	v22 =	vperm.xlane v21, v5;
	_ =	sdelay $0x1  }
0x331: {  	v23 =	vperm.xlane v21, v7;
	v22 =	vadd.s32 v6, v22;
	_ =	sdelay $0x1  }
0x332: {  	v32 =	vperm.xlane v21, v8;
	v23 =	vadd.s32 v6, v23;
	_ =	sdelay $0x1  }
0x333: {  	s24 =	simm.s32 $0x1A800;
	v33 =	vperm.xlane v21, v3;
	v24 =	vadd.s32 v6, v32  }
0x334: {  	[tilespmem:s24], [sflag:$0x4] =	stream.indirect_vreg.gather [hbm4b:s7+s2], $0x80, v22, vm1, $0xb8;
	[tilespmem:$0x1C800] =	vst v63  }
0x335: {  	s25 =	simm.s32 $0x1A880;
	v34 =	vperm.xlane v21, v9;
	v22 =	vadd.s32 v6, v33  }
0x336: {  	[tilespmem:s25], [sflag:$0x4] =	stream.indirect_vreg.gather [hbm4b:s7+s2], $0x80, v23, vm1, $0xb8;
	[tilespmem:$0x1C800] =	vst v63  }
0x337: {  	s26 =	simm.s32 $0x1A900;
	v35 =	vperm.xlane v21, v10;
	v23 =	vadd.s32 v6, v34  }
0x338: {  	[tilespmem:s26], [sflag:$0x4] =	stream.indirect_vreg.gather [hbm4b:s7+s2], $0x80, v24, vm1, $0xb8;
	[tilespmem:$0x1C800] =	vst v63  }
0x339: {  	s28 =	simm.s32 $0x1A980;
	v37 =	vperm.xlane v21, v11;
	v36 =	vadd.s32 v6, v35  }
0x33a: {  	[tilespmem:s28], [sflag:$0x4] =	stream.indirect_vreg.gather [hbm4b:s7+s2], $0x80, v22, vm1, $0xb8;
	[tilespmem:$0x1C800] =	vst v63  }
0x33b: {  	s23 =	simm.s32 $0x1AA00;
	v38 =	vperm.xlane v21, v1;
	v22 =	vadd.s32 v6, v37  }
0x33c: {  	[tilespmem:s23], [sflag:$0x4] =	stream.indirect_vreg.gather [hbm4b:s7+s2], $0x80, v23, vm1, $0xb8;
	[tilespmem:$0x1C800] =	vst v63  }
0x33d: {  	v39 =	vperm.xlane v21, v12;
	s24 =	simm.s32 $0x1AA80;
	v23 =	vadd.s32 v6, v38  }
0x33e: {  	[tilespmem:s24], [sflag:$0x4] =	stream.indirect_vreg.gather [hbm4b:s7+s2], $0x80, v36, vm1, $0xb8;
	[tilespmem:$0x1C800] =	vst v63  }
0x33f: {  	v41 =	vperm.xlane v21, v13;
	v40 =	vadd.s32 v6, v39;
	s25 =	simm.s32 $0x1AB00  }
0x340: {  	[tilespmem:s25], [sflag:$0x4] =	stream.indirect_vreg.gather [hbm4b:s7+s2], $0x80, v22, vm1, $0xb8;
	[tilespmem:$0x1C800] =	vst v63  }
0x341: {  	v42 =	vperm.xlane v21, v14;
	s26 =	simm.s32 $0x1AB80;
	v22 =	vadd.s32 v6, v41  }
0x342: {  	[tilespmem:s26], [sflag:$0x4] =	stream.indirect_vreg.gather [hbm4b:s7+s2], $0x80, v23, vm1, $0xb8;
	[tilespmem:$0x1C800] =	vst v63  }
0x343: {  	v43 =	vperm.xlane v21, v15;
	s28 =	simm.s32 $0x1AC00;
	v23 =	vadd.s32 v6, v42  }
0x344: {  	[tilespmem:s28], [sflag:$0x4] =	stream.indirect_vreg.gather [hbm4b:s7+s2], $0x80, v40, vm1, $0xb8;
	[tilespmem:$0x1C800] =	vst v63  }
0x345: {  	v45 =	vperm.xlane v21, v16;
	v44 =	vadd.s32 v6, v43;
	s23 =	simm.s32 $0x1AC80  }
0x346: {  	[tilespmem:s23], [sflag:$0x4] =	stream.indirect_vreg.gather [hbm4b:s7+s2], $0x80, v22, vm1, $0xb8;
	[tilespmem:$0x1C800] =	vst v63  }
0x347: {  	v46 =	vperm.xlane v21, v17;
	s24 =	simm.s32 $0x1AD00;
	v22 =	vadd.s32 v6, v45  }
0x348: {  	[tilespmem:s24], [sflag:$0x4] =	stream.indirect_vreg.gather [hbm4b:s7+s2], $0x80, v23, vm1, $0xb8;
	[tilespmem:$0x1C800] =	vst v63  }
0x349: {  	v47 =	vperm.xlane v21, v18;
	s25 =	simm.s32 $0x1AD80;
	v23 =	vadd.s32 v6, v46  }
0x34a: {  	[tilespmem:s25], [sflag:$0x4] =	stream.indirect_vreg.gather [hbm4b:s7+s2], $0x80, v44, vm1, $0xb8;
	[tilespmem:$0x1C800] =	vst v63  }
0x34b: {  	v21 =	vperm.xlane v21, v19;
	v48 =	vadd.s32 v6, v47;
	s26 =	simm.s32 $0x1AE00  }
0x34c: {  	[tilespmem:s26], [sflag:$0x4] =	stream.indirect_vreg.gather [hbm4b:s7+s2], $0x80, v22, vm1, $0xb8;
	[tilespmem:$0x1C800] =	vst v63  }
0x34d: {  	v21 =	vadd.s32 v6, v21;
	s28 =	simm.s32 $0x1AE80  }
0x34e: {  	[tilespmem:s28], [sflag:$0x4] =	stream.indirect_vreg.gather [hbm4b:s7+s2], $0x80, v23, vm1, $0xb8;
	[tilespmem:$0x1C800] =	vst v63  }
0x34f: {  	s23 =	simm.s32 $0x1AF00  }
0x350: {  	[tilespmem:s23], [sflag:$0x4] =	stream.indirect_vreg.gather [hbm4b:s7+s2], $0x80, v48, vm1, $0xb8;
	[tilespmem:$0x1C800] =	vst v63  }
0x351: {  	s24 =	simm.s32 $0x1AF80  }
0x352: {  	[tilespmem:s24], [sflag:$0x4] =	stream.indirect_vreg.gather [hbm4b:s7+s2], $0x80, v21, vm1, $0xb8;
	[tilespmem:$0x1C800] =	vst v63  }
0x353: {  	v21 =	vld [tilespmem:s21+$0x190];
	_ =	sdelay $0x4  }
0x354: {  	v22 =	vshrl.u32 v21, $0x3  }
0x355: {  	v22 =	vmul.u32 $0x18, v22  }
0x356: {  	v21 =	vand.u32 $0x7, v21  }
0x357: {  	v21 =	vor.u32 v21, v22  }
0x358: {  	v22 =	vperm.xlane v21, v5;
	_ =	sdelay $0x1  }
0x359: {  	v23 =	vperm.xlane v21, v7;
	v22 =	vadd.s32 v6, v22;
	_ =	sdelay $0x1  }
0x35a: {  	v49 =	vperm.xlane v21, v8;
	v23 =	vadd.s32 v6, v23;
	_ =	sdelay $0x1  }
0x35b: {  	s25 =	simm.s32 $0x1B000;
	v50 =	vperm.xlane v21, v3;
	v24 =	vadd.s32 v6, v49  }
0x35c: {  	[tilespmem:s25], [sflag:$0x4] =	stream.indirect_vreg.gather [hbm4b:s7+s2], $0x80, v22, vm1, $0xb8;
	[tilespmem:$0x1C800] =	vst v63  }
0x35d: {  	s26 =	simm.s32 $0x1B080;
	v51 =	vperm.xlane v21, v9;
	v22 =	vadd.s32 v6, v50  }
0x35e: {  	[tilespmem:s26], [sflag:$0x4] =	stream.indirect_vreg.gather [hbm4b:s7+s2], $0x80, v23, vm1, $0xb8;
	[tilespmem:$0x1C800] =	vst v63  }
0x35f: {  	s28 =	simm.s32 $0x1B100;
	v52 =	vperm.xlane v21, v10;
	v23 =	vadd.s32 v6, v51  }
0x360: {  	[tilespmem:s28], [sflag:$0x4] =	stream.indirect_vreg.gather [hbm4b:s7+s2], $0x80, v24, vm1, $0xb8;
	[tilespmem:$0x1C800] =	vst v63  }
0x361: {  	s23 =	simm.s32 $0x1B180;
	v54 =	vperm.xlane v21, v11;
	v53 =	vadd.s32 v6, v52  }
0x362: {  	[tilespmem:s23], [sflag:$0x4] =	stream.indirect_vreg.gather [hbm4b:s7+s2], $0x80, v22, vm1, $0xb8;
	[tilespmem:$0x1C800] =	vst v63  }
0x363: {  	s24 =	simm.s32 $0x1B200;
	v55 =	vperm.xlane v21, v1;
	v22 =	vadd.s32 v6, v54  }
0x364: {  	[tilespmem:s24], [sflag:$0x4] =	stream.indirect_vreg.gather [hbm4b:s7+s2], $0x80, v23, vm1, $0xb8;
	[tilespmem:$0x1C800] =	vst v63  }
0x365: {  	v56 =	vperm.xlane v21, v12;
	s25 =	simm.s32 $0x1B280;
	v23 =	vadd.s32 v6, v55  }
0x366: {  	[tilespmem:s25], [sflag:$0x4] =	stream.indirect_vreg.gather [hbm4b:s7+s2], $0x80, v53, vm1, $0xb8;
	[tilespmem:$0x1C800] =	vst v63  }
0x367: {  	v58 =	vperm.xlane v21, v13;
	v57 =	vadd.s32 v6, v56;
	s26 =	simm.s32 $0x1B300  }
0x368: {  	[tilespmem:s26], [sflag:$0x4] =	stream.indirect_vreg.gather [hbm4b:s7+s2], $0x80, v22, vm1, $0xb8;
	[tilespmem:$0x1C800] =	vst v63  }
0x369: {  	v59 =	vperm.xlane v21, v14;
	s28 =	simm.s32 $0x1B380;
	v22 =	vadd.s32 v6, v58  }
0x36a: {  	[tilespmem:s28], [sflag:$0x4] =	stream.indirect_vreg.gather [hbm4b:s7+s2], $0x80, v23, vm1, $0xb8;
	[tilespmem:$0x1C800] =	vst v63  }
0x36b: {  	v60 =	vperm.xlane v21, v15;
	s23 =	simm.s32 $0x1B400;
	v23 =	vadd.s32 v6, v59  }
0x36c: {  	[tilespmem:s23], [sflag:$0x4] =	stream.indirect_vreg.gather [hbm4b:s7+s2], $0x80, v57, vm1, $0xb8;
	[tilespmem:$0x1C800] =	vst v63  }
0x36d: {  	v62 =	vperm.xlane v21, v16;
	v61 =	vadd.s32 v6, v60;
	s24 =	simm.s32 $0x1B480  }
0x36e: {  	[tilespmem:s24], [sflag:$0x4] =	stream.indirect_vreg.gather [hbm4b:s7+s2], $0x80, v22, vm1, $0xb8;
	[tilespmem:$0x1C800] =	vst v63  }
0x36f: {  	v63 =	vperm.xlane v21, v17;
	s25 =	simm.s32 $0x1B500;
	v22 =	vadd.s32 v6, v62  }
0x370: {  	[tilespmem:s25], [sflag:$0x4] =	stream.indirect_vreg.gather [hbm4b:s7+s2], $0x80, v23, vm1, $0xb8;
	[tilespmem:$0x1C800] =	vst v63  }
0x371: {  	v28 =	vperm.xlane v21, v18;
	s26 =	simm.s32 $0x1B580;
	v23 =	vadd.s32 v6, v63  }
0x372: {  	[tilespmem:s26], [sflag:$0x4] =	stream.indirect_vreg.gather [hbm4b:s7+s2], $0x80, v61, vm1, $0xb8;
	[tilespmem:$0x1C800] =	vst v63  }
0x373: {  	v21 =	vperm.xlane v21, v19;
	v29 =	vadd.s32 v6, v28;
	s28 =	simm.s32 $0x1B600  }
0x374: {  	[tilespmem:s28], [sflag:$0x4] =	stream.indirect_vreg.gather [hbm4b:s7+s2], $0x80, v22, vm1, $0xb8;
	[tilespmem:$0x1C800] =	vst v63  }
0x375: {  	v21 =	vadd.s32 v6, v21;
	s23 =	simm.s32 $0x1B680  }
0x376: {  	[tilespmem:s23], [sflag:$0x4] =	stream.indirect_vreg.gather [hbm4b:s7+s2], $0x80, v23, vm1, $0xb8;
	[tilespmem:$0x1C800] =	vst v63  }
0x377: {  	s24 =	simm.s32 $0x1B700  }
0x378: {  	[tilespmem:s24], [sflag:$0x4] =	stream.indirect_vreg.gather [hbm4b:s7+s2], $0x80, v29, vm1, $0xb8;
	[tilespmem:$0x1C800] =	vst v63  }
0x379: {  	s25 =	simm.s32 $0x1B780  }
0x37a: {  	[tilespmem:s25], [sflag:$0x4] =	stream.indirect_vreg.gather [hbm4b:s7+s2], $0x80, v21, vm1, $0xb8;
	[tilespmem:$0x1C800] =	vst v63  }
0x37b: {  	v21 =	vld [tilespmem:s21+$0x1A0];
	_ =	sdelay $0x4  }
0x37c: {  	v22 =	vshrl.u32 v21, $0x3  }
0x37d: {  	v22 =	vmul.u32 $0x18, v22  }
0x37e: {  	v21 =	vand.u32 $0x7, v21  }
0x37f: {  	v21 =	vor.u32 v21, v22  }
0x380: {  	v22 =	vperm.xlane v21, v5;
	_ =	sdelay $0x1  }
0x381: {  	v23 =	vperm.xlane v21, v7;
	v22 =	vadd.s32 v6, v22;
	_ =	sdelay $0x1  }
0x382: {  	v30 =	vperm.xlane v21, v8;
	v23 =	vadd.s32 v6, v23;
	_ =	sdelay $0x1  }
0x383: {  	s26 =	simm.s32 $0x1B800;
	v31 =	vperm.xlane v21, v3;
	v24 =	vadd.s32 v6, v30  }
0x384: {  	[tilespmem:s26], [sflag:$0x4] =	stream.indirect_vreg.gather [hbm4b:s7+s2], $0x80, v22, vm1, $0xb8;
	[tilespmem:$0x1C800] =	vst v63  }
0x385: {  	s28 =	simm.s32 $0x1B880;
	v32 =	vperm.xlane v21, v9;
	v22 =	vadd.s32 v6, v31  }
0x386: {  	[tilespmem:s28], [sflag:$0x4] =	stream.indirect_vreg.gather [hbm4b:s7+s2], $0x80, v23, vm1, $0xb8;
	[tilespmem:$0x1C800] =	vst v63  }
0x387: {  	s23 =	simm.s32 $0x1B900;
	v33 =	vperm.xlane v21, v10;
	v23 =	vadd.s32 v6, v32  }
0x388: {  	[tilespmem:s23], [sflag:$0x4] =	stream.indirect_vreg.gather [hbm4b:s7+s2], $0x80, v24, vm1, $0xb8;
	[tilespmem:$0x1C800] =	vst v63  }
0x389: {  	s24 =	simm.s32 $0x1B980;
	v35 =	vperm.xlane v21, v11;
	v34 =	vadd.s32 v6, v33  }
0x38a: {  	[tilespmem:s24], [sflag:$0x4] =	stream.indirect_vreg.gather [hbm4b:s7+s2], $0x80, v22, vm1, $0xb8;
	[tilespmem:$0x1C800] =	vst v63  }
0x38b: {  	s25 =	simm.s32 $0x1BA00;
	v36 =	vperm.xlane v21, v1;
	v22 =	vadd.s32 v6, v35  }
0x38c: {  	[tilespmem:s25], [sflag:$0x4] =	stream.indirect_vreg.gather [hbm4b:s7+s2], $0x80, v23, vm1, $0xb8;
	[tilespmem:$0x1C800] =	vst v63  }
0x38d: {  	v37 =	vperm.xlane v21, v12;
	s26 =	simm.s32 $0x1BA80;
	v23 =	vadd.s32 v6, v36  }
0x38e: {  	[tilespmem:s26], [sflag:$0x4] =	stream.indirect_vreg.gather [hbm4b:s7+s2], $0x80, v34, vm1, $0xb8;
	[tilespmem:$0x1C800] =	vst v63  }
0x38f: {  	v39 =	vperm.xlane v21, v13;
	v38 =	vadd.s32 v6, v37;
	s28 =	simm.s32 $0x1BB00  }
0x390: {  	[tilespmem:s28], [sflag:$0x4] =	stream.indirect_vreg.gather [hbm4b:s7+s2], $0x80, v22, vm1, $0xb8;
	[tilespmem:$0x1C800] =	vst v63  }
0x391: {  	v40 =	vperm.xlane v21, v14;
	s23 =	simm.s32 $0x1BB80;
	v22 =	vadd.s32 v6, v39  }
0x392: {  	[tilespmem:s23], [sflag:$0x4] =	stream.indirect_vreg.gather [hbm4b:s7+s2], $0x80, v23, vm1, $0xb8;
	[tilespmem:$0x1C800] =	vst v63  }
0x393: {  	v41 =	vperm.xlane v21, v15;
	s24 =	simm.s32 $0x1BC00;
	v23 =	vadd.s32 v6, v40  }
0x394: {  	[tilespmem:s24], [sflag:$0x4] =	stream.indirect_vreg.gather [hbm4b:s7+s2], $0x80, v38, vm1, $0xb8;
	[tilespmem:$0x1C800] =	vst v63  }
0x395: {  	v43 =	vperm.xlane v21, v16;
	v42 =	vadd.s32 v6, v41;
	s25 =	simm.s32 $0x1BC80  }
0x396: {  	[tilespmem:s25], [sflag:$0x4] =	stream.indirect_vreg.gather [hbm4b:s7+s2], $0x80, v22, vm1, $0xb8;
	[tilespmem:$0x1C800] =	vst v63  }
0x397: {  	v44 =	vperm.xlane v21, v17;
	s26 =	simm.s32 $0x1BD00;
	v22 =	vadd.s32 v6, v43  }
0x398: {  	[tilespmem:s26], [sflag:$0x4] =	stream.indirect_vreg.gather [hbm4b:s7+s2], $0x80, v23, vm1, $0xb8;
	[tilespmem:$0x1C800] =	vst v63  }
0x399: {  	v45 =	vperm.xlane v21, v18;
	s28 =	simm.s32 $0x1BD80;
	v23 =	vadd.s32 v6, v44  }
0x39a: {  	[tilespmem:s28], [sflag:$0x4] =	stream.indirect_vreg.gather [hbm4b:s7+s2], $0x80, v42, vm1, $0xb8;
	[tilespmem:$0x1C800] =	vst v63  }
0x39b: {  	v21 =	vperm.xlane v21, v19;
	v46 =	vadd.s32 v6, v45;
	s23 =	simm.s32 $0x1BE00  }
0x39c: {  	[tilespmem:s23], [sflag:$0x4] =	stream.indirect_vreg.gather [hbm4b:s7+s2], $0x80, v22, vm1, $0xb8;
	[tilespmem:$0x1C800] =	vst v63  }
0x39d: {  	v21 =	vadd.s32 v6, v21;
	s24 =	simm.s32 $0x1BE80  }
0x39e: {  	[tilespmem:s24], [sflag:$0x4] =	stream.indirect_vreg.gather [hbm4b:s7+s2], $0x80, v23, vm1, $0xb8;
	[tilespmem:$0x1C800] =	vst v63  }
0x39f: {  	s25 =	simm.s32 $0x1BF00  }
0x3a0: {  	[tilespmem:s25], [sflag:$0x4] =	stream.indirect_vreg.gather [hbm4b:s7+s2], $0x80, v46, vm1, $0xb8;
	[tilespmem:$0x1C800] =	vst v63  }
0x3a1: {  	s26 =	simm.s32 $0x1BF80  }
0x3a2: {  	[tilespmem:s26], [sflag:$0x4] =	stream.indirect_vreg.gather [hbm4b:s7+s2], $0x80, v21, vm1, $0xb8;
	[tilespmem:$0x1C800] =	vst v63  }
0x3a3: {  	v21 =	vld [tilespmem:s21+$0x1B0];
	_ =	sdelay $0x4  }
0x3a4: {  	v22 =	vshrl.u32 v21, $0x3  }
0x3a5: {  	v22 =	vmul.u32 $0x18, v22  }
0x3a6: {  	v21 =	vand.u32 $0x7, v21  }
0x3a7: {  	v21 =	vor.u32 v21, v22  }
0x3a8: {  	v22 =	vperm.xlane v21, v5;
	_ =	sdelay $0x1  }
0x3a9: {  	v23 =	vperm.xlane v21, v7;
	v22 =	vadd.s32 v6, v22;
	_ =	sdelay $0x1  }
0x3aa: {  	v47 =	vperm.xlane v21, v8;
	v23 =	vadd.s32 v6, v23;
	_ =	sdelay $0x1  }
0x3ab: {  	s28 =	simm.s32 $0x1C000;
	v48 =	vperm.xlane v21, v3;
	v24 =	vadd.s32 v6, v47  }
0x3ac: {  	[tilespmem:s28], [sflag:$0x4] =	stream.indirect_vreg.gather [hbm4b:s7+s2], $0x80, v22, vm1, $0xb8;
	[tilespmem:$0x1C800] =	vst v63  }
0x3ad: {  	s22 =	simm.s32 $0x1C080;
	v49 =	vperm.xlane v21, v9;
	v22 =	vadd.s32 v6, v48  }
0x3ae: {  	[tilespmem:s22], [sflag:$0x4] =	stream.indirect_vreg.gather [hbm4b:s7+s2], $0x80, v23, vm1, $0xb8;
	[tilespmem:$0x1C800] =	vst v63  }
0x3af: {  	s23 =	simm.s32 $0x1C100;
	v50 =	vperm.xlane v21, v10;
	v23 =	vadd.s32 v6, v49  }
0x3b0: {  	[tilespmem:s23], [sflag:$0x4] =	stream.indirect_vreg.gather [hbm4b:s7+s2], $0x80, v24, vm1, $0xb8;
	[tilespmem:$0x1C800] =	vst v63  }
0x3b1: {  	s24 =	simm.s32 $0x1C180;
	v52 =	vperm.xlane v21, v11;
	v51 =	vadd.s32 v6, v50  }
0x3b2: {  	[tilespmem:s24], [sflag:$0x4] =	stream.indirect_vreg.gather [hbm4b:s7+s2], $0x80, v22, vm1, $0xb8;
	[tilespmem:$0x1C800] =	vst v63  }
0x3b3: {  	s25 =	simm.s32 $0x1C200;
	v53 =	vperm.xlane v21, v1;
	v22 =	vadd.s32 v6, v52  }
0x3b4: {  	[tilespmem:s25], [sflag:$0x4] =	stream.indirect_vreg.gather [hbm4b:s7+s2], $0x80, v23, vm1, $0xb8;
	[tilespmem:$0x1C800] =	vst v63  }
0x3b5: {  	s26 =	simm.s32 $0x1C280;
	v54 =	vperm.xlane v21, v12;
	v23 =	vadd.s32 v6, v53  }
0x3b6: {  	[tilespmem:s26], [sflag:$0x4] =	stream.indirect_vreg.gather [hbm4b:s7+s2], $0x80, v51, vm1, $0xb8;
	[tilespmem:$0x1C800] =	vst v63  }
0x3b7: {  	v56 =	vperm.xlane v21, v13;
	v55 =	vadd.s32 v6, v54;
	s28 =	simm.s32 $0x1C300  }
0x3b8: {  	[tilespmem:s28], [sflag:$0x4] =	stream.indirect_vreg.gather [hbm4b:s7+s2], $0x80, v22, vm1, $0xb8;
	[tilespmem:$0x1C800] =	vst v63  }
0x3b9: {  	v57 =	vperm.xlane v21, v14;
	v22 =	vadd.s32 v6, v56  }
0x3ba: {  	[tilespmem:s29], [sflag:$0x4] =	stream.indirect_vreg.gather [hbm4b:s7+s2], $0x80, v23, vm1, $0xb8;
	[tilespmem:$0x1C800] =	vst v63  }
0x3bb: {  	v58 =	vperm.xlane v21, v15;
	v23 =	vadd.s32 v6, v57  }
0x3bc: {  	[tilespmem:s30], [sflag:$0x4] =	stream.indirect_vreg.gather [hbm4b:s7+s2], $0x80, v55, vm1, $0xb8;
	[tilespmem:$0x1C800] =	vst v63  }
0x3bd: {  	v60 =	vperm.xlane v21, v16;
	v59 =	vadd.s32 v6, v58  }
0x3be: {  	[tilespmem:s31], [sflag:$0x4] =	stream.indirect_vreg.gather [hbm4b:s7+s2], $0x80, v22, vm1, $0xb8;
	[tilespmem:$0x1C800] =	vst v63  }
0x3bf: {  	v61 =	vperm.xlane v21, v17;
	v22 =	vadd.s32 v6, v60  }
0x3c0: {  	[tilespmem:s1], [sflag:$0x4] =	stream.indirect_vreg.gather [hbm4b:s7+s2], $0x80, v23, vm1, $0xb8;
	[tilespmem:$0x1C800] =	vst v63  }
0x3c1: {  	v23 =	vadd.s32 v6, v61  }
0x3c2: {  	v62 =	vperm.xlane v21, v18;
	[tilespmem:s0], [sflag:$0x4] =	stream.indirect_vreg.gather [hbm4b:s7+s2], $0x80, v59, vm1, $0xb8;
	[tilespmem:$0x1C800] =	vst v63  }
0x3c3: {  	_ = 	snop  }
0x3c4: {  	v21 =	vperm.xlane v21, v19;
	v63 =	vadd.s32 v6, v62;
	[tilespmem:s6], [sflag:$0x4] =	stream.indirect_vreg.gather [hbm4b:s7+s2], $0x80, v22, vm1, $0xb8;
	[tilespmem:$0x1C800] =	vst v63  }
0x3c5: {  	_ = 	snop  }
0x3c6: {  	v21 =	vadd.s32 v6, v21;
	[tilespmem:s9], [sflag:$0x4] =	stream.indirect_vreg.gather [hbm4b:s7+s2], $0x80, v23, vm1, $0xb8;
	[tilespmem:$0x1C800] =	vst v63  }
.Ltmp5:
0x3c7: {  	_ = 	snop;
	(pc) =	sbr.rel .LBB2_2-.Ltmp5, $4  }
0x3c8: {  	_ = 	snop  }
0x3c9: {  	[tilespmem:s12], [sflag:$0x4] =	stream.indirect_vreg.gather [hbm4b:s7+s2], $0x80, v63, vm1, $0xb8;
	[tilespmem:$0x1C800] =	vst v63  }
0x3ca: {  	s20 =	sadd.s32 $0x1, s20  }
0x3cb: {  	[tilespmem:s13], [sflag:$0x4] =	stream.indirect_vreg.gather [hbm4b:s7+s2], $0x80, v21, vm1, $0xb8;
	[tilespmem:$0x1C800] =	vst v63  }
.LBB2_9:
0x3cc: {  	_ =	sfence.sel $0x180000  }
0x3cd: {  	[bflag:$0x0] =	sbarrier.arrive $0xFFFF  }
0x3ce: {  	_ =	strace $0x90000047  }
0x3cf: {  	s0 =	stileid.u32;
	[bflag:$0x2] =	sbarrier.arrive $0xFFFF  }
0x3d0: {  	p0 =	sne.s32 s0, $0x0;
	s0 =	rddreg [dreg:$0x1]  }
0x3d1: {  	s0 =	sadd.s32 @!p0 $0x100000, s0  }
0x3d2: {  	[sflag:s0] =	ssyncadd.tile.s32 @!p0 $0x1;
	_ =	shalt  }
.Lfunc_end2:
_tile_overlayer_lowered:
.L_overlay_start_2:
0x3d3: {  	(tag) =	ssettag $0x2  }
0x3d4: {  	s0 =	rddreg [dreg:$0x0];
	s2 =	stileid.u32  }
0x3d5: {  	s1 =	rddreg [dreg:$0x1];
	p0 =	sne.s32 s2, $0x0  }
0x3d6: {  	s3 =	rddreg [dreg:$0x2];
	[bflag:$0x3] =	sbarrier.arrive $0xFFFF;
	s2 =	simm.s32 @!p0 $0x1C07  }
0x3d7: {  	[timem:s3], [sflag:s2] =	dma.local @!p0 [hbm:s0], s1  }
0x3d8: {  	s0 =	simm.s32 @!p0 $0x7  }
0x3d9: {  	_ =	swait.ge @!p0 [sflag:s0], s1  }
0x3da: {  	s1 =	ssub.s32 @!p0 $0x0, s1;
	[sflag:s0] =	ssyncset.done @!p0 $0x0  }
0x3db: {  	[sflag:s0] =	ssyncadd.s32 @!p0 s1  }
0x3dc: {  	[bflag:$0x3] =	sbarrier.arrive $0xFFFF  }
0x3dd: {  	_ =	shalt  }

// kernel: sparse-core-data-format-call.cloned.1.call-start
scs
called_computation_lowered:
.L_overlay_start_0:
0x0: {  	s2 =	sld [smem:$0x3FD9]  }
0x1: {  	s3 =	sld [smem:$0x3FFE];
	_ =	sdelay $0x1  }
0x2: {  	s1 =	srdreg.scid  }
0x3: {  	s0 =	sand.u32 $0x1, s1  }
0x4: {  	s18 =	sshll.u32 s0, $0xA;
	s2 =	sadd.s32 s3, s2  }
0x5: {  	s2 =	sadd.s32 s2, s18  }
0x6: {  	[smem:$0x3FC6] =	sst s2  }
0x7: {  	_ = 	snop  }
0x8: {  	s2 =	sld [smem:$0x3FD0];
	(tm) =	ssettm $0x1  }
0x9: {  	s19 =	sld [smem:$0x3FFB];
	_ =	sdelay $0x3  }
0xa: {  	_ =	strace s19  }
0xb: {  	s3 =	sld [smem:$0x3FFC];
	_ =	sdelay $0x3  }
0xc: {  	_ =	strace s3  }
0xd: {  	s3 =	sld [smem:$0x3FFD];
	_ =	sdelay $0x3  }
0xe: {  	_ =	strace s3  }
0xf: {  	_ =	strace $0x8FFFFFFF  }
0x10: {  	s20 =	sld [smem:$0x3FDB];
	_ =	sdelay $0x1  }
0x11: {  	s4 =	simm.s32 $_scs_section_size  }
0x12: {  	s5 =	simm.s32 $_size__tile_overlayer_lowered;
	s6 =	simm.s32 $_tile_overlayer_lowered  }
0x13: {  	s23 =	simm.s32 $0x1BFF;
	s22 =	sshll.u32 s6, $0x1;
	s3 =	sadd.s32 s4, s20  }
0x14: {  	s7 =	simm.s32 $0x0;
	s21 =	sshll.u32 s5, $0x1;
	s5 =	sadd.s32 s22, s3  }
0x15: {  	[timem:s7], [sflag:s23] =	dma.local [hbm:s5], s21  }
0x16: {  	_ =	swait.ge [sflag:s23], s21  }
0x17: {  	s4 =	ssub.s32 $0x0, s21;
	[sflag:s23] =	ssyncset.done $0x0  }
0x18: {  	[sflag:s23] =	ssyncadd.s32 s4;
	_ =	sdelay $0x1  }
0x19: {  	s24 =	simm.s32 $0x1B8B  }
0x1a: {  	_ =	swait.ge [sflag:s24], $0x1  }
0x1b: {  	[sflag:s24] =	ssyncset.done $0x0  }
0x1c: {  	s26 =	simm.s32 $0x1B8E;
	s25 =	sld [smem:$0x3FFE];
	[sflag:s24] =	ssyncadd.s32 $0xFFFFFFFF  }
0x1d: {  	s27 =	simm.s32 $execute0_lowered;
	[smem:$0x3FD2] =	sst s26  }
0x1e: {  	s5 =	sshll.u32 s27, $0x1;
	_ =	strace $0x80000049;
	[dreg:$0x1] =	wrdreg $0xFFFFFFFF  }
0x1f: {  	s28 =	simm.s32 $_size_execute0_lowered;
	s3 =	sadd.s32 s3, s5;
	[dreg:$0x0] =	wrdreg $0x0  }
0x20: {  	s5 =	sshll.u32 s28, $0x1;
	[dreg:$0x2] =	wrdreg s3  }
0x21: {  	[dreg:$0x3] =	wrdreg s5  }
0x22: {  	[dreg:$0x4] =	wrdreg $0xC0  }
0x23: {  	_ =	task [dreg:s7], $0x5FFFF  }
0x24: {  	[dreg:$0x1] =	wrdreg $0xFFFFFFFF  }
0x25: {  	[dreg:$0x0] =	wrdreg $0x60  }
0x26: {  	[dreg:$0x2] =	wrdreg s25  }
0x27: {  	[dreg:$0x3] =	wrdreg s2  }
0x28: {  	[dreg:$0x4] =	wrdreg $0x9  }
0x29: {  	_ =	task.clear_ibuf [dreg:s7], $0x5FFFF;
	_ =	strace $0x90000049  }
0x2a: {  	s29 =	simm.s32 $0x9;
	_ =	strace $0x8000004B  }
0x2b: {  	_ =	swait.ge [sflag:s29], $0x1  }
0x2c: {  	[sflag:s29] =	ssyncadd.s32 $0xFFFFFFFF  }
0x2d: {  	_ =	strace $0x9000004B  }
0x2e: {  	_ =	sfence  }
0x2f: {  	s30 =	sld [smem:$0x0];
	_ =	sdelay $0x2  }
0x30: {  	s31 =	sshll.u32 s1, $0xD;
	s1 =	sshrl.u32 s1, $0x2  }
0x31: {  	s3 =	sand.u32 $0x4000, s31;
	s1 =	sadd.s32 s1, s30  }
0x32: {  	s0 =	sor.u32 s3, s0;
	s1 =	sshll.u32 s1, $0x11  }
0x33: {  	s0 =	sor.u32 s1, s0  }
0x34: {  	s0 =	sadd.s32 $0x8F2B, s0  }
0x35: {  	[sflag:s0] =	ssyncadd.remote.s32 $0x1  }
0x36: {  	_ =	sfence.sel $0xFFFF  }
0x37: {  	[dreg:$0x0] =	wrdreg $0xFFFFFFFF;
	(pc) =	sbr.abs _section_cstart, $3  }
0x38: {  	[dreg:$0x1] =	wrdreg $0xFFFFFFFF  }
0x39: {  	_ =	task.clear_ibuf [dreg:s7], $0x2FFFF;
	_ =	strace $0x9FFFFFFF  }
0x3a: {  	(tm) =	ssettm $0x7FFFFFFF  }
0x3b: {  	_ =	shalt  }
tec
execute0_lowered:
.L_overlay_start_1:
0x0: {  	(tag) =	ssettag $0x1  }
0x1: {  	s0 =	srdreg.scid;
	s6 =	rddreg [dreg:$0x0]  }
0x2: {  	s3 =	rddreg [dreg:$0x1];
	s1 =	sshll.u32 s0, $0x4  }
0x3: {  	s5 =	simm.s32 $0x1;
	s0 =	stileid.u32;
	s1 =	sand.u32 $0x10, s1  }
0x4: {  	s31 =	simm.s32 $0x2;
	s18 =	simm.s32 $0x0;
	s1 =	sor.u32 s0, s1  }
0x5: {  	s8 =	simm.s32 $0xC8000;
	s17 =	simm.s32 $0x0;
	s2 =	sshll.u32 s1, $0x7  }
0x6: {  	s16 =	simm.s32 $0x0;
	s9 =	simm.s32 $0x0;
	s4 =	ssub.s32 $0x1000, s2  }
0x7: {  	s10 =	simm.s32 $0x0;
	s11 =	simm.s32 $0x0;
	s30 =	sand.u32 $0xF80, s4  }
0x8: {  	s12 =	simm.s32 $0x0;
	s13 =	simm.s32 $0x0;
	p0 =	sne.s32 s30, $0x0  }
.Ltmp0:
0x9: {  	s7 =	sshrl.u32 s4, $0xC;
	s5 =	simm.s32 @!p0 $0x0;
	(pc) =	sbr.rel .LBB1_1-.Ltmp0, $4  }
0xa: {  	s15 =	simm.s32 $0x0;
	s1 =	rddreg [dreg:$0x2];
	s5 =	sadd.s32 s5, s7  }
0xb: {  	_ =	strace $0x8000004A;
	s4 =	simm.s32 $0x1;
	s5 =	smul.u32 $0x258, s5  }
0xc: {  	s6 =	sadd.s32 $0x2A46600, s6;
	s14 =	smov.u32 s2;
	[sflag:s4] =	ssyncpa.u1 $0x0  }
0xd: {  	[sflag:s31] =	ssyncpa.u1 $0x0;
	p0 =	por $0x0, $0x0;
	s7 =	sor.u32 $0x1, s5  }
.LBB1_4:
0xe: {  	s23 =	sshra.s32 s23, $0x2;
	s24 =	sshll.u32 s10, $0xC  }
0xf: {  	p1 =	sgt.s32 s10, $0xC7;
	s26 =	smov.u32 s10;
	s27 =	sshra.s32 s10, $0x1F  }
0x10: {  	s28 =	smov.u32 s9;
	s29 =	sshra.s32 s11, $0x1F;
	s22 =	sadd.s32 s23, s22  }
0x11: {  	s30 =	sand.u32 $0xFFFF8000, s24;
	s24 =	sshll.u32 s11, $0x3;
	s26 =	simm.s32 @!p1 $0xC7  }
0x12: {  	p1 =	sgt.s32 s9, $0xAC;
	s27 =	sand.u32 s27, s10;
	s31 =	sand.u32 s29, s11  }
0x13: {  	s29 =	sshll.u32 s10, $0x7;
	s25 =	sand.u32 $0xFFFFFC00, s24;
	s28 =	simm.s32 @!p1 $0xAC  }
0x14: {  	p1 =	sgt.s32 s11, $0xF80;
	s23 =	sadd.s32 s25, s30;
	s25 =	ssub.s32 s26, s27  }
0x15: {  	[tilespmem:s21+$0x2040 ss:$0x81] =	vst.msk $0xffff, v4;
	s27 =	smov.u32 s11;
	s30 =	sshra.s32 s9, $0x1F;
	s26 =	sadd.s32 $0xFFFFFF39, s25  }
0x16: {  	v5 =	vld [tilespmem:s20+$0xFFFFFFD0];
	[tilespmem:s21+$0x2850 ss:$0x81] =	vst.msk $0xffff, v3;
	s27 =	simm.s32 @!p1 $0xF80;
	s23 =	sshrl.u32 s23, $0xC;
	s25 =	ssub.s32 $0xC8, s25  }
0x17: {  	v58 =	vld [tilespmem:s20+$0xFFFFFFE0];
	[tilespmem:s21+$0x3060 ss:$0x81] =	vst.msk $0xffff, v2;
	p1 =	sgt.s32 s26, $0x0;
	s26 =	ssub.s32 s27, s31;
	s27 =	sand.u32 s30, s9  }
0x18: {  	v59 =	vld [tilespmem:s20+$0xFFFFFFF0];
	[tilespmem:s21+$0x0 ss:$0x81] =	vst.msk $0xffff, v1;
	s21 =	smulhi.u32 $0x147AE15, s23;
	s30 =	sand.u32 $0x78, s11;
	s27 =	ssub.s32 s28, s27  }
0x19: {  	v60 =	vld [tilespmem:s20+$0x0];
	s25 =	simm.s32 @p1 $0x0;
	s31 =	sadd.s32 $0xFFFFF080, s26;
	s26 =	ssub.s32 $0x1000, s26  }
0x1a: {  	v61 =	vld [tilespmem:s20+$0x10];
	[tilespmem:s22+$0x3870 ss:$0x81] =	vst.msk $0xffff, v0;
	p1 =	sgt.s32 s31, $0x7F;
	s28 =	sadd.s32 $0xFFFFFF54, s27;
	s31 =	sand.u32 $0x380, s29  }
0x1b: {  	v62 =	vld [tilespmem:s20+$0x20];
	[tilespmem:s22+$0x810 ss:$0x81] =	vst.msk $0xffff, v5;
	s29 =	sand.u32 $0xC00, s24;
	s21 =	smul.u32 $0xC8, s21;
	s24 =	ssub.s32 $0x12C, s27  }
0x1c: {  	v63 =	vld [tilespmem:s20+$0xFFFFFFC0];
	[tilespmem:s22+$0x1020 ss:$0x81] =	vst.msk $0xffff, v58;
	s26 =	simm.s32 @p1 $0x0;
	s20 =	sor.u32 s30, s29;
	s30 =	smul.u32 $0x19000, s9  }
0x1d: {  	[tilespmem:s22+$0x1830 ss:$0x81] =	vst.msk $0xffff, v59;
	p1 =	sgt.s32 s28, $0x7F;
	s28 =	sand.u32 $0x7, s11;
	s25 =	smul.u32 s26, s25  }
0x1e: {  	[tilespmem:s22+$0x2040 ss:$0x81] =	vst.msk $0xffff, v60;
	s24 =	simm.s32 @p1 $0x0;
	s20 =	sor.u32 s31, s20;
	s21 =	ssub.s32 s23, s21  }
0x1f: {  	[tilespmem:s22+$0x2850 ss:$0x81] =	vst.msk $0xffff, v61;
	s20 =	sshrl.u32 s20, $0x3;
	s27 =	sadd.s32 s3, s30;
	s31 =	smul.u32 s24, s25  }
0x20: {  	[tilespmem:s22+$0x3060 ss:$0x81] =	vst.msk $0xffff, v62;
	s29 =	sshll.u32 s28, $0x12;
	s21 =	sshll.u32 s21, $0x9;
	s20 =	sadd.s32 s20, s27  }
0x21: {  	[tilespmem:s22+$0x0 ss:$0x81] =	vst.msk $0xffff, v63;
	s20 =	sadd.s32 s21, s20;
	s30 =	sand.u32 $0x3FFFFFFF, s31;
	s31 =	sor.u32 $0x80, s29  }
0x22: {  	[hbm4b:s20+s31] =	stream.strided.scatter [tilespmem:s19], [sflag:$0x2], s30, s8, s31, $0x20;
	[tilespmem:$0x10100] =	vst v63  }
.LBB1_5:
0x23: {  	p1 =	slt.u32 s15, $0x2  }
0x24: {  	p2 =	sgt.s32 @!p1 s18, $0xAC  }
0x25: {  	s19 =	smov.u32 s18;
	s20 =	sshra.s32 @!p1 s18, $0x1F;
	p2 =	por !p2, p1  }
0x26: {  	s18 =	sand.u32 @!p1 s20, s18;
	s19 =	simm.s32 @p2 $0xAC  }
0x27: {  	s20 =	sshra.s32 @!p1 s17, $0x1F;
	p2 =	sgt.s32 @!p1 s17, $0xC7;
	s18 =	ssub.s32 @!p1 s19, s18  }
0x28: {  	p2 =	por !p2, p1;
	s19 =	smov.u32 s17;
	s17 =	sand.u32 @!p1 s20, s17  }
0x29: {  	s20 =	sshra.s32 @!p1 s16, $0x1F;
	s19 =	simm.s32 @p2 $0xC7;
	p2 =	sgt.s32 @!p1 s16, $0xF80  }
0x2a: {  	s17 =	ssub.s32 @!p1 s19, s17;
	p2 =	por !p2, p1;
	s19 =	smov.u32 s16  }
0x2b: {  	s16 =	sand.u32 @!p1 s20, s16;
	s20 =	sadd.s32 @!p1 $0xFFFFFF39, s17;
	s19 =	simm.s32 @p2 $0xF80  }
0x2c: {  	p2 =	sgt.s32 @!p1 s20, $0x0;
	s16 =	ssub.s32 @!p1 s19, s16  }
0x2d: {  	s17 =	ssub.s32 @!p1 $0xC8, s17;
	p2 =	por !p2, p1;
	s19 =	sadd.s32 @!p1 $0xFFFFF080, s16  }
0x2e: {  	s17 =	simm.s32 @!p2 $0x0;
	p2 =	sgt.s32 @!p1 s19, $0x7F  }
0x2f: {  	s21 =	smov.u32 s14;
	s16 =	ssub.s32 @!p1 $0x1000, s16;
	p2 =	por !p2, p1  }
0x30: {  	s20 =	sadd.s32 @!p1 $0xFFFFFF54, s18;
	s19 =	sadd.s32 $0x80, s12;
	s16 =	simm.s32 @!p2 $0x0  }
0x31: {  	p2 =	sgt.s32 s19, $0x12B;
	s16 =	smul.u32 @!p1 s16, s17;
	s17 =	simm.s32 $0x1  }
0x32: {  	p0 =	por !p0, !p0;
	p3 =	sgt.s32 @!p1 s20, $0x7F;
	s17 =	simm.s32 @!p2 $0x0  }
0x33: {  	s18 =	ssub.s32 @!p1 $0x12C, s18;
	p3 =	por !p3, p1;
	s20 =	sadd.s32 s17, s13  }
0x34: {  	s18 =	simm.s32 @!p3 $0x0;
	s17 =	sadd.s32 $0x1000, s14;
	p3 =	sgt.s32 s20, $0xC7  }
0x35: {  	s22 =	simm.s32 @!p1 $0x2;
	s19 =	simm.s32 @p2 $0x0;
	s21 =	smov.u32 @p3 s17  }
0x36: {  	s16 =	smul.u32 @!p1 s18, s16;
	s18 =	smov.u32 s9;
	p2 =	sgt.s32 s21, $0xFFF  }
0x37: {  	s9 =	smov.u32 s12;
	s21 =	smov.u32 @p2 s2;
	p2 =	sne.s32 s15, s7  }
.Ltmp1:
0x38: {  	s12 =	smov.u32 s19;
	s16 =	sand.u32 @!p1 $0x3FFFFFFF, s16;
	(pc) =	sbr.rel @!p2 .LBB1_6-.Ltmp1, $4  }
0x39: {  	s20 =	simm.s32 @p3 $0x0;
	s17 =	smov.u32 s10;
	s10 =	smov.u32 s13  }
0x3a: {  	_ =	swait.ge @!p1 [sflag:s22], s16;
	s23 =	ssub.s32 @!p1 $0x0, s16;
	s16 =	smov.u32 s11  }
0x3b: {  	s11 =	smov.u32 s14;
	s13 =	smov.u32 s20;
	[sflag:s22] =	ssyncset.done @!p1 $0x0  }
0x3c: {  	s15 =	sadd.s32 $0x1, s15;
	[sflag:s22] =	ssyncadd.s32 @!p1 s23;
	s14 =	smov.u32 s21  }
.LBB1_1:
0x3d: {  	p1 =	sge.u32 s15, s5  }
0x3e: {  	s19 =	sshrl.u32 @!p1 s13, $0x3  }
0x3f: {  	s20 =	sshll.u32 @!p1 s12, $0x3;
	s19 =	smul.u32 @!p1 $0xC00, s19  }
0x40: {  	s21 =	sshll.u32 @!p1 s13, $0x7;
	s20 =	sand.u32 @!p1 $0xFFFFFC00, s20  }
0x41: {  	s19 =	sadd.s32 @!p1 s19, s20;
	s20 =	sand.u32 @!p1 $0x380, s21  }
0x42: {  	s19 =	sor.u32 @!p1 s20, s19  }
0x43: {  	s20 =	sand.u32 @!p1 $0x7F, s12;
	s21 =	smulhi.u32 @!p1 $0xAAAAAAAB, s19  }
0x44: {  	s19 =	sor.u32 @!p1 s20, s19  }
0x45: {  	s20 =	smulhi.u32 @!p1 $0xAAAAAAAB, s19;
	s21 =	sshrl.u32 @!p1 s21, $0x8  }
0x46: {  	s22 =	smulhi.u32 @!p1 $0x147AE15, s21;
	_ =	sdelay $0x1  }
0x47: {  	s20 =	sshrl.u32 @!p1 s20, $0x8;
	s22 =	smul.u32 @!p1 $0xC8, s22  }
0x48: {  	s31 =	sadd.s32 $0xFFFFFFFF, s15;
	s20 =	smul.u32 @!p1 $0x180, s20  }
0x49: {  	s23 =	sxor.u32 @!p1 $0xFFFFFFFF, s15;
	s21 =	ssub.s32 @!p1 s21, s22;
	s22 =	smul.u32 @!p1 $0x2580, s14  }
0x4a: {  	s23 =	sshll.u32 @!p1 s23, $0xE;
	s19 =	ssub.s32 @!p1 s19, s20;
	s20 =	smul.u32 @!p1 $0x30, s21  }
0x4b: {  	s21 =	sand.u32 @!p1 $0x4000, s23;
	s23 =	sand.u32 @!p1 $0x7, s19;
	s22 =	sadd.s32 @!p1 s6, s22  }
0x4c: {  	s19 =	sshrl.u32 @!p1 s19, $0x3;
	s20 =	sadd.s32 @!p1 s20, s22;
	s22 =	sshll.u32 @!p1 s23, $0x12  }
0x4d: {  	s19 =	sadd.s32 @!p1 s19, s20;
	s20 =	sor.u32 @!p1 $0x80, s22;
	s22 =	simm.s32 @!p1 $0x12C00  }
0x4e: {  	[tilespmem:s21], [sflag:$0x1] =	stream.strided.gather @!p1 [hbm4b:s19+s20], $0x4000, s22, s20, $0x38;
	[tilespmem:$0x10100] =	vst v63  }
0x4f: {  	p1 =	sge.u32 s31, s5  }
.Ltmp2:
0x50: {  	_ = 	snop;
	(pc) =	sbr.rel @p1 .LBB1_5-.Ltmp2, $1  }
0x51: {  	_ =	sdelay $0x3  }
0x52: {  	s19 =	simm.s32 $0x1  }
0x53: {  	_ =	swait.ge [sflag:s4], $0x4000;
	s19 =	simm.s32 @!p0 $0x0  }
0x54: {  	[sflag:s4] =	ssyncset.done $0x0;
	s20 =	sshll.u32 s19, $0xE  }
0x55: {  	[sflag:s4] =	ssyncadd.s32 $0xFFFFC000;
	s20 =	sor.u32 $0x40, s20  }
0x56: {  	s19 =	smul.u32 $0x10200, s19;
	v0 =	vld [tilespmem:s20+$0x30]  }
0x57: {  	v1 =	vld [tilespmem:s20+$0xFFFFFFD0]  }
0x58: {  	s19 =	sshrl.u32 s19, $0x2;
	v5 =	vld [tilespmem:s20+$0xFFFFFFE0]  }
0x59: {  	v6 =	vld [tilespmem:s20+$0xFFFFFFF0];
	s22 =	sor.u32 $0x8000, s19  }
0x5a: {  	s31 =	sand.u32 $0x1, s15;
	v4 =	vld [tilespmem:s20+$0x0];
	s21 =	sadd.s32 $0x0, s22  }
0x5b: {  	v3 =	vld [tilespmem:s20+$0x10];
	s19 =	smul.u32 $0x10200, s31;
	[tilespmem:s21+$0x3870 ss:$0x81] =	vst.msk $0xffff, v0  }
0x5c: {  	v2 =	vld [tilespmem:s20+$0x20];
	[tilespmem:s21+$0x810 ss:$0x81] =	vst.msk $0xffff, v1  }
0x5d: {  	s19 =	sshrl.u32 s19, $0x2;
	v1 =	vld [tilespmem:s20+$0xFFFFFFC0];
	[tilespmem:s21+$0x1020 ss:$0x81] =	vst.msk $0xffff, v5;
	s20 =	sadd.s32 $0x80, s20  }
0x5e: {  	s23 =	simm.s32 $0x4;
	s24 =	simm.s32 $0x8;
	s19 =	sor.u32 $0x8000, s19;
	[tilespmem:s21+$0x1830 ss:$0x81] =	vst.msk $0xffff, v6;
	v0 =	vld [tilespmem:s20+$0x30]  }
.LBB1_3:
0x5f: {  	p1 =	sne.s32 s24, $0x1FC;
	v5 =	vld [tilespmem:s20+$0xFFFFFFD0];
	[tilespmem:s21+$0x2040 ss:$0x81] =	vst.msk $0xffff, v4  }
0x60: {  	v6 =	vld [tilespmem:s20+$0xFFFFFFE0];
	[tilespmem:s21+$0x2850 ss:$0x81] =	vst.msk $0xffff, v3  }
0x61: {  	s25 =	sshra.s32 s23, $0x2;
	s23 =	smov.u32 s24;
	v7 =	vld [tilespmem:s20+$0xFFFFFFF0];
	[tilespmem:s21+$0x3060 ss:$0x81] =	vst.msk $0xffff, v2  }
.Ltmp3:
0x62: {  	v4 =	vld [tilespmem:s20+$0x0];
	[tilespmem:s21+$0x0 ss:$0x81] =	vst.msk $0xffff, v1;
	s21 =	sadd.s32 s25, s22;
	(pc) =	sbr.rel @p1 .LBB1_3-.Ltmp3, $4  }
0x63: {  	v3 =	vld [tilespmem:s20+$0x10];
	[tilespmem:s21+$0x3870 ss:$0x81] =	vst.msk $0xffff, v0  }
0x64: {  	[tilespmem:s21+$0x810 ss:$0x81] =	vst.msk $0xffff, v5;
	v2 =	vld [tilespmem:s20+$0x20]  }
0x65: {  	v1 =	vld [tilespmem:s20+$0xFFFFFFC0];
	[tilespmem:s21+$0x1020 ss:$0x81] =	vst.msk $0xffff, v6;
	s20 =	sadd.s32 $0x80, s20  }
0x66: {  	s24 =	sadd.s32 $0x4, s24;
	v0 =	vld [tilespmem:s20+$0x30];
	[tilespmem:s21+$0x1830 ss:$0x81] =	vst.msk $0xffff, v7  }
.Ltmp4:
0x67: {  	_ = 	snop;
	(pc) =	sbr.rel .LBB1_4-.Ltmp4, $1  }
0x68: {  	_ =	sdelay $0x3  }
.LBB1_6:
0x69: {  	_ =	sfence.sel $0x180000  }
0x6a: {  	s2 =	simm.s32 $0x1;
	[bflag:$0x0] =	sbarrier.arrive $0xFFFF  }
0x6b: {  	s31 =	simm.s32 $0x2;
	[sflag:s2] =	ssyncpa.u1 $0x1  }
0x6c: {  	[sflag:s31] =	ssyncpa.u1 $0x1  }
0x6d: {  	p0 =	sne.s32 s0, $0x0;
	_ =	strace $0x9000004A  }
0x6e: {  	s0 =	sadd.s32 @!p0 $0x100000, s1;
	[bflag:$0x2] =	sbarrier.arrive $0xFFFF  }
0x6f: {  	[sflag:s0] =	ssyncadd.tile.s32 @!p0 $0x1;
	_ =	shalt  }
.Lfunc_end1:
_tile_overlayer_lowered:
.L_overlay_start_2:
0x70: {  	(tag) =	ssettag $0x2  }
0x71: {  	s0 =	rddreg [dreg:$0x0];
	s2 =	stileid.u32  }
0x72: {  	s1 =	rddreg [dreg:$0x1];
	p0 =	sne.s32 s2, $0x0  }
0x73: {  	s3 =	rddreg [dreg:$0x2];
	[bflag:$0x3] =	sbarrier.arrive $0xFFFF;
	s2 =	simm.s32 @!p0 $0x1C01  }
0x74: {  	[timem:s3], [sflag:s2] =	dma.local @!p0 [hbm:s0], s1  }
0x75: {  	s0 =	simm.s32 @!p0 $0x1  }
0x76: {  	_ =	swait.ge @!p0 [sflag:s0], s1  }
0x77: {  	s1 =	ssub.s32 @!p0 $0x0, s1;
	[sflag:s0] =	ssyncset.done @!p0 $0x0  }
0x78: {  	[sflag:s0] =	ssyncadd.s32 @!p0 s1  }
0x79: {  	[bflag:$0x3] =	sbarrier.arrive $0xFFFF  }
0x7a: {  	_ =	shalt  }

</sc_bundles>
